<compile_context>
chip_gen: v7x
topology: tpu7x:2x2x1
jax: 0.10.2.dev20260603
libtpu: 0.0.44.dev20260713+nightly
codegen_flags: <defaults>
</compile_context>

<pallas_src>
import functools

import jax
import jax.numpy as jnp
import numpy as np
from jax import lax
from jax.experimental import pallas as pl
from jax.experimental.pallas import tpu as pltpu
from jax.experimental.pallas import tpu_sc as plsc

F32 = jnp.float32
I32 = jnp.int32

EP = 163840
ROWS = EP // 128
NP = 10240
EB = 2048
NB = 640
CUT_UP = 4.5


def _sc_gather_body(z_hbm, ei_hbm, out_hbm, z_v, ei_v, o_v):
    c = lax.axis_index("c")
    s = lax.axis_index("s")
    wid = s * 2 + c
    per = EP // 32
    base = wid * per
    pltpu.sync_copy(z_hbm, z_v)

    for a in range(2):
        pltpu.sync_copy(ei_hbm.at[a, pl.ds(base, per)], ei_v)

        def body(g, carry):
            idx = ei_v[pl.ds(g * 16, 16)]
            o_v[pl.ds(g * 16, 16)] = plsc.load_gather(z_v, [idx])
            return carry

        lax.fori_loop(0, per // 16, body, 0)
        pltpu.sync_copy(o_v, out_hbm.at[a, pl.ds(base, per)])


def _sc_gather(z_pad, ei_p):
    f = functools.partial(
        pl.kernel,
        out_type=jax.ShapeDtypeStruct((2, EP), I32),
        mesh=plsc.VectorSubcoreMesh(core_axis_name="c", subcore_axis_name="s"),
        scratch_types=[
            pltpu.VMEM((NP,), I32),
            pltpu.VMEM((EP // 32,), I32),
            pltpu.VMEM((EP // 32,), I32),
        ],
        compiler_params=pltpu.CompilerParams(needs_layout_passes=False),
    )(_sc_gather_body)
    return f(z_pad, ei_p)


def _payload_body(ea_ref, sc_ref, emb_ref, waT_ref, wbT_ref, e2b_ref,
                  dpcT_ref, bct_ref, out_ref):
    Ta = jnp.dot(emb_ref[...], waT_ref[...], preferred_element_type=F32)
    Tb = jnp.dot(emb_ref[...], wbT_ref[...], preferred_element_type=F32)
    w = sc_ref[0]
    vx = sc_ref[1]
    vy = sc_ref[2]
    vz = sc_ref[3]
    zi = sc_ref[4]
    zj = sc_ref[5]
    ids = lax.broadcasted_iota(I32, (EB, 128), 1)
    ohi = (zi.astype(I32)[:, None] == ids).astype(F32)
    ohj = (zj.astype(I32)[:, None] == ids).astype(F32)
    Zij = (jnp.dot(ohi, Ta, preferred_element_type=F32)
           + jnp.dot(ohj, Tb, preferred_element_type=F32)
           + e2b_ref[...][None, :])
    cut = 0.5 * (jnp.cos(w * (np.pi / CUT_UP)) + 1.0) * (w < CUT_UP).astype(F32)
    C2 = cut[:, None] * Zij
    D = jnp.dot(ea_ref[...], dpcT_ref[...], preferred_element_type=F32) \
        + bct_ref[...][None, :]
    s1 = D[:, 0:64] * C2
    s2 = D[:, 64:128] * C2
    s3 = D[:, 128:192] * C2
    t3 = (vx * vx + vy * vy + vz * vz) * (1.0 / 3.0)
    out_ref[0] = s1
    out_ref[1] = s2 * vx[:, None]
    out_ref[2] = s2 * vy[:, None]
    out_ref[3] = s2 * vz[:, None]
    out_ref[4] = s3 * (vx * vx - t3)[:, None]
    out_ref[5] = s3 * (vy * vy - t3)[:, None]
    out_ref[6] = s3 * (vz * vz - t3)[:, None]
    out_ref[7] = s3 * (vx * vy)[:, None]
    out_ref[8] = s3 * (vx * vz)[:, None]
    out_ref[9] = s3 * (vy * vz)[:, None]


def _payload(ea_p, scal, emb_p, waT, wbT, e2b, dpcT, bct):
    grid = EP // EB
    return pl.pallas_call(
        _payload_body,
        grid=(grid,),
        in_specs=[
            pl.BlockSpec((EB, 32), lambda i: (i, 0)),
            pl.BlockSpec((6, EB), lambda i: (0, i)),
            pl.BlockSpec((128, 64), lambda i: (0, 0)),
            pl.BlockSpec((64, 64), lambda i: (0, 0)),
            pl.BlockSpec((64, 64), lambda i: (0, 0)),
            pl.BlockSpec((64,), lambda i: (0,)),
            pl.BlockSpec((32, 192), lambda i: (0, 0)),
            pl.BlockSpec((192,), lambda i: (0,)),
        ],
        out_specs=pl.BlockSpec((10, EB, 64), lambda i: (0, i, 0)),
        out_shape=jax.ShapeDtypeStruct((10, EP, 64), F32),
    )(ea_p, scal, emb_p, waT, wbT, e2b, dpcT, bct)


def _silu(x):
    return x * jax.nn.sigmoid(x)


def _epi_body(g_ref, lng_ref, lnb_ref, w1T_ref, b1_ref, w2T_ref, b2_ref,
              lt0T_ref, lt1T_ref, lt2T_ref, out_ref):
    sI = g_ref[0]
    a0 = g_ref[1]
    a1 = g_ref[2]
    a2 = g_ref[3]
    d0 = g_ref[4]
    d1 = g_ref[5]
    d2 = g_ref[6]
    o01 = g_ref[7]
    o02 = g_ref[8]
    o12 = g_ref[9]
    normf = (3.0 * sI * sI + 2.0 * (a0 * a0 + a1 * a1 + a2 * a2)
             + d0 * d0 + d1 * d1 + d2 * d2
             + 2.0 * (o01 * o01 + o02 * o02 + o12 * o12))
    mu = jnp.mean(normf, axis=-1, keepdims=True)
    var = jnp.mean((normf - mu) ** 2, axis=-1, keepdims=True)
    x = (normf - mu) * lax.rsqrt(var + 1e-5) * lng_ref[...][None, :] \
        + lnb_ref[...][None, :]
    x = _silu(jnp.dot(x, w1T_ref[...], preferred_element_type=F32)
              + b1_ref[...][None, :])
    x = _silu(jnp.dot(x, w2T_ref[...], preferred_element_type=F32)
              + b2_ref[...][None, :])
    r = lax.broadcasted_iota(I32, (192, 64), 0)
    cidx = lax.broadcasted_iota(I32, (192, 64), 1)
    n0 = jnp.dot(x, (r == 3 * cidx).astype(F32), preferred_element_type=F32)
    n1 = jnp.dot(x, (r == 3 * cidx + 1).astype(F32), preferred_element_type=F32)
    n2 = jnp.dot(x, (r == 3 * cidx + 2).astype(F32), preferred_element_type=F32)
    lt0T = lt0T_ref[...]
    lt1T = lt1T_ref[...]
    lt2T = lt2T_ref[...]
    ip = jnp.dot(sI, lt0T, preferred_element_type=F32) * n0
    a0p = jnp.dot(a0, lt1T, preferred_element_type=F32) * n1
    a1p = jnp.dot(a1, lt1T, preferred_element_type=F32) * n1
    a2p = jnp.dot(a2, lt1T, preferred_element_type=F32) * n1
    d0p = jnp.dot(d0, lt2T, preferred_element_type=F32) * n2
    d1p = jnp.dot(d1, lt2T, preferred_element_type=F32) * n2
    d2p = jnp.dot(d2, lt2T, preferred_element_type=F32) * n2
    o01p = jnp.dot(o01, lt2T, preferred_element_type=F32) * n2
    o02p = jnp.dot(o02, lt2T, preferred_element_type=F32) * n2
    o12p = jnp.dot(o12, lt2T, preferred_element_type=F32) * n2
    out_ref[0] = ip + d0p
    out_ref[1] = -a2p + o01p
    out_ref[2] = a1p + o02p
    out_ref[3] = a2p + o01p
    out_ref[4] = ip + d1p
    out_ref[5] = -a0p + o12p
    out_ref[6] = -a1p + o02p
    out_ref[7] = a0p + o12p
    out_ref[8] = ip + d2p


def _epilogue(G, ln_g, ln_b, w1T, b1, w2T, b2, lt0T, lt1T, lt2T):
    grid = NP // NB
    vec = lambda n: pl.BlockSpec((n,), lambda i: (0,))
    mat = lambda a, b: pl.BlockSpec((a, b), lambda i: (0, 0))
    return pl.pallas_call(
        _epi_body,
        grid=(grid,),
        in_specs=[
            pl.BlockSpec((10, NB, 64), lambda i: (0, i, 0)),
            vec(64), vec(64), mat(64, 128), vec(128), mat(128, 192), vec(192),
            mat(64, 64), mat(64, 64), mat(64, 64),
        ],
        out_specs=pl.BlockSpec((9, NB, 64), lambda i: (0, i, 0)),
        out_shape=jax.ShapeDtypeStruct((9, NP, 64), F32),
    )(G, ln_g, ln_b, w1T, b1, w2T, b2, lt0T, lt1T, lt2T)


def kernel(z, edge_index, edge_weight, edge_vec_norm, edge_attr, emb,
           emb2_W, emb2_b, dp1_W, dp1_b, dp2_W, dp2_b, dp3_W, dp3_b,
           ln_g, ln_b, mlp1_W1, mlp1_b1, mlp1_W2, mlp1_b2,
           lt0_W, lt1_W, lt2_W):
    E0 = edge_weight.shape[0]
    N0 = z.shape[0]
    pad = EP - E0

    ei = edge_index.astype(I32)
    ei_p = jnp.concatenate([ei, jnp.zeros((2, pad), I32)], axis=1)
    z_pad = jnp.concatenate([z.astype(I32), jnp.zeros((NP - N0,), I32)])

    zz = _sc_gather(z_pad, ei_p)
    zi = zz[0].astype(F32)
    zj = zz[1].astype(F32)

    w_p = jnp.concatenate([edge_weight, jnp.full((pad,), 10.0, F32)])
    v_p = jnp.concatenate([edge_vec_norm, jnp.zeros((pad, 3), F32)], axis=0)
    ea_p = jnp.concatenate([edge_attr, jnp.zeros((pad, 32), F32)], axis=0)
    scal = jnp.stack([w_p, v_p[:, 0], v_p[:, 1], v_p[:, 2], zi, zj])

    emb_pad = jnp.concatenate(
        [emb, jnp.zeros((128 - emb.shape[0], 64), F32)], axis=0)
    e2WT = emb2_W.T
    waT = e2WT[:64]
    wbT = e2WT[64:]
    dpcT = jnp.concatenate([dp1_W, dp2_W, dp3_W], axis=0).T
    bct = jnp.concatenate([dp1_b, dp2_b, dp3_b])

    P = _payload(ea_p, scal, emb_pad, waT, wbT, emb2_b, dpcT, bct)

    G = jnp.transpose(jax.ops.segment_sum(
        jnp.transpose(P, (1, 0, 2)), ei_p[0], num_segments=NP), (1, 0, 2))

    out9 = _epilogue(G, ln_g, ln_b, mlp1_W1.T, mlp1_b1, mlp1_W2.T, mlp1_b2,
                     lt0_W.T, lt1_W.T, lt2_W.T)

    out = jnp.transpose(out9[:, :N0, :], (1, 2, 0)).reshape(N0, 64, 3, 3)
    return out

# --- scband reference (transcript-rebuilt; emitter-appended) ---
"""Pipeline reference for scband-tensor-embedding-33457795236216 (READ-ONLY COPY).

The authoritative reference and input builder live on the scoring server;
editing this copy changes nothing except your own understanding.
"""

import jax, jax.numpy as jnp
import numpy as np

HID = 64
NRBF = 32
MAXZ = 100
CUT_UP = 4.5
N = 10001
E = 160000

def setup_inputs(seed: int = 0):
    key = jax.random.key(seed)
    ks = jax.random.split(key, 24)
    s = 0.05
    inp = {}
    inp['z'] = jax.random.randint(ks[0], (N,), 0, MAXZ)
    inp['edge_index'] = jax.random.randint(ks[1], (2, E), 0, N)
    inp['edge_weight'] = jax.random.uniform(ks[2], (E,), dtype=jnp.float32)
    inp['edge_vec_norm'] = jax.random.normal(ks[3], (E, 3), dtype=jnp.float32)
    inp['edge_attr'] = jax.random.normal(ks[4], (E, NRBF), dtype=jnp.float32)
    inp['emb'] = jax.random.normal(ks[5], (MAXZ, HID), dtype=jnp.float32) * s
    inp['emb2_W'] = jax.random.normal(ks[6], (HID, 2 * HID), dtype=jnp.float32) * s
    inp['emb2_b'] = jnp.zeros((HID,), dtype=jnp.float32)
    inp['dp1_W'] = jax.random.normal(ks[7], (HID, NRBF), dtype=jnp.float32) * s
    inp['dp1_b'] = jnp.zeros((HID,), dtype=jnp.float32)
    inp['dp2_W'] = jax.random.normal(ks[8], (HID, NRBF), dtype=jnp.float32) * s
    inp['dp2_b'] = jnp.zeros((HID,), dtype=jnp.float32)
    inp['dp3_W'] = jax.random.normal(ks[9], (HID, NRBF), dtype=jnp.float32) * s
    inp['dp3_b'] = jnp.zeros((HID,), dtype=jnp.float32)
    inp['ln_g'] = jnp.ones((HID,), dtype=jnp.float32)
    inp['ln_b'] = jnp.zeros((HID,), dtype=jnp.float32)
    inp['mlp1_W1'] = jax.random.normal(ks[10], (2 * HID, HID), dtype=jnp.float32) * s
    inp['mlp1_b1'] = jnp.zeros((2 * HID,), dtype=jnp.float32)
    inp['mlp1_W2'] = jax.random.normal(ks[11], (3 * HID, 2 * HID), dtype=jnp.float32) * s
    inp['mlp1_b2'] = jnp.zeros((3 * HID,), dtype=jnp.float32)
    inp['lt0_W'] = jax.random.normal(ks[12], (HID, HID), dtype=jnp.float32) * s
    inp['lt1_W'] = jax.random.normal(ks[13], (HID, HID), dtype=jnp.float32) * s
    inp['lt2_W'] = jax.random.normal(ks[14], (HID, HID), dtype=jnp.float32) * s
    return inp

def _cosine_cutoff(d):
    c = 0.5 * (jnp.cos(d * jnp.pi / CUT_UP) + 1.0)
    return c * (d < CUT_UP)

def _vector_to_skewtensor(v):
    zero = jnp.zeros(v.shape[0], dtype=v.dtype)
    m = jnp.stack((zero, -v[:, 2], v[:, 1], v[:, 2], zero, -v[:, 0], -v[:, 1], v[:, 0], zero), axis=1)
    return m.reshape(-1, 3, 3)

def _vector_to_symtensor(v):
    t = v[..., :, None] * v[..., None, :]
    trace = (t[..., 0, 0] + t[..., 1, 1] + t[..., 2, 2]) / 3.0
    I3 = jnp.eye(3, dtype=v.dtype)
    return 0.5 * (t + jnp.swapaxes(t, -2, -1)) - trace[..., None, None] * I3

def _tensor_norm(t):
    return (t ** 2).sum((-2, -1))

def _layernorm(x, g, b):
    mu = x.mean(-1, keepdims=True)
    var = ((x - mu) ** 2).mean(-1, keepdims=True)
    return (x - mu) / jnp.sqrt(var + 1e-5) * g + b

def reference(z, edge_index, edge_weight, edge_vec_norm, edge_attr, emb, emb2_W, emb2_b, dp1_W, dp1_b, dp2_W, dp2_b, dp3_W, dp3_b, ln_g, ln_b, mlp1_W1, mlp1_b1, mlp1_W2, mlp1_b2, lt0_W, lt1_W, lt2_W):
    Z = emb[z]
    Zij = (jnp.concatenate([Z[edge_index[0]], Z[edge_index[1]]], axis=-1) @ emb2_W.T + emb2_b)[..., None, None]
    C = _cosine_cutoff(edge_weight).reshape(-1, 1, 1, 1) * Zij
    eye = jnp.eye(3, dtype=C.dtype)[None, None, :, :]
    Iij = (edge_attr @ dp1_W.T + dp1_b)[..., None, None] * C * eye
    Aij = (edge_attr @ dp2_W.T + dp2_b)[..., None, None] * C * _vector_to_skewtensor(edge_vec_norm)[..., None, :, :]
    Sij = (edge_attr @ dp3_W.T + dp3_b)[..., None, None] * C * _vector_to_symtensor(edge_vec_norm)[..., None, :, :]
    n_nodes = z.shape[0]
    I = jax.ops.segment_sum(Iij, edge_index[0], num_segments=n_nodes)
    A = jax.ops.segment_sum(Aij, edge_index[0], num_segments=n_nodes)
    S = jax.ops.segment_sum(Sij, edge_index[0], num_segments=n_nodes)
    norm = _layernorm(_tensor_norm(I + A + S), ln_g, ln_b)
    norm = jax.nn.silu(norm @ mlp1_W1.T + mlp1_b1)
    norm = jax.nn.silu(norm @ mlp1_W2.T + mlp1_b2)
    norm = norm.reshape(-1, HID, 3)
    I = jnp.einsum('nhij,gh->ngij', I, lt0_W) * norm[..., 0][:, :, None, None]
    A = jnp.einsum('nhij,gh->ngij', A, lt1_W) * norm[..., 1][:, :, None, None]
    S = jnp.einsum('nhij,gh->ngij', S, lt2_W) * norm[..., 2][:, :, None, None]
    return I + A + S

if __name__ == "__main__":
    import jax
    _d = setup_inputs()
    print(jax.jit(kernel)(*tuple(_d.values())))

</pallas_src>

<mosaic_0001>
#map = affine_map<(d0, d1) -> (0)>
#map1 = affine_map<(d0, d1) -> (0, 0)>
module attributes {stable_mosaic.version = 14 : i64} {
  func.func @_sc_gather_body(%arg0: i32, %arg1: i32, %arg2: memref<10240xi32, #tpu.memory_space<hbm>>, %arg3: memref<2x163840xi32, #tpu.memory_space<hbm>>, %arg4: memref<2x163840xi32, #tpu.memory_space<hbm>>, %arg5: memref<10240xi32, #tpu.memory_space<vmem>>, %arg6: memref<5120xi32, #tpu.memory_space<vmem>>, %arg7: memref<5120xi32, #tpu.memory_space<vmem>>) attributes {dimension_semantics = [#tpu.dimension_semantics<core_parallel>, #tpu.dimension_semantics<subcore_parallel>], iteration_bounds = array<i64: 2, 16>, scalar_prefetch = 0 : i64, scratch_operands = 3 : i64, tpu.core_type = #tpu.core_type<sc_vector_subcore>, window_params = [{transform_indices = #map}, {transform_indices = #map1}, {transform_indices = #map1}]} {
    %mul3A = arith.constant 2 : i32
    %mul3A_0 = arith.muli %arg1, %mul3A : i32
    %add3A = arith.addi %mul3A_0, %arg0 : i32
    %mul3A_1 = arith.constant 5120 : i32
    %mul3A_2 = arith.muli %add3A, %mul3A_1 : i32
    "tpu.region"() ({
      %run_scoped3A_17 = tpu.sem_alloc : memref<!tpu.dma_semaphore, #tpu.memory_space<semaphore_mem>>
      tpu.enqueue_dma source(%arg2 : memref<10240xi32, #tpu.memory_space<hbm>>) target(%arg5 : memref<10240xi32, #tpu.memory_space<vmem>>) target_semaphore(%run_scoped3A_17 : memref<!tpu.dma_semaphore, #tpu.memory_space<semaphore_mem>>)
      tpu.wait_dma2 semaphore(%run_scoped3A_17 : memref<!tpu.dma_semaphore, #tpu.memory_space<semaphore_mem>>) src(%arg2 : memref<10240xi32, #tpu.memory_space<hbm>>) dst(%arg5 : memref<10240xi32, #tpu.memory_space<vmem>>)
      tpu.yield
    }) : () -> ()
    %run_scoped3A = arith.constant 0 : i32
    "tpu.region"() ({
      %run_scoped3A_17 = tpu.sem_alloc : memref<!tpu.dma_semaphore, #tpu.memory_space<semaphore_mem>>
      %dma_start3A = tpu.memref_slice %arg3[%run_scoped3A, %mul3A_2] : memref<2x163840xi32, #tpu.memory_space<hbm>> -> memref<1x5120xi32, #tpu.memory_space<hbm>>
      %dma_start3A_18 = tpu.memref_squeeze %dma_start3A : memref<1x5120xi32, #tpu.memory_space<hbm>> -> memref<5120xi32, #tpu.memory_space<hbm>>
      %dma_start3A_19 = tpu.memref_slice %arg3[%run_scoped3A, %mul3A_2] : memref<2x163840xi32, #tpu.memory_space<hbm>> -> memref<1x5120xi32, #tpu.memory_space<hbm>>
      %dma_start3A_20 = tpu.memref_squeeze %dma_start3A_19 : memref<1x5120xi32, #tpu.memory_space<hbm>> -> memref<5120xi32, #tpu.memory_space<hbm>>
      tpu.enqueue_dma source(%dma_start3A_20 : memref<5120xi32, #tpu.memory_space<hbm>>) target(%arg6 : memref<5120xi32, #tpu.memory_space<vmem>>) target_semaphore(%run_scoped3A_17 : memref<!tpu.dma_semaphore, #tpu.memory_space<semaphore_mem>>)
      %dma_wait3A = tpu.memref_slice %arg3[%run_scoped3A, %mul3A_2] : memref<2x163840xi32, #tpu.memory_space<hbm>> -> memref<1x5120xi32, #tpu.memory_space<hbm>>
      %dma_wait3A_21 = tpu.memref_squeeze %dma_wait3A : memref<1x5120xi32, #tpu.memory_space<hbm>> -> memref<5120xi32, #tpu.memory_space<hbm>>
      %dma_wait3A_22 = tpu.memref_slice %arg3[%run_scoped3A, %mul3A_2] : memref<2x163840xi32, #tpu.memory_space<hbm>> -> memref<1x5120xi32, #tpu.memory_space<hbm>>
      %dma_wait3A_23 = tpu.memref_squeeze %dma_wait3A_22 : memref<1x5120xi32, #tpu.memory_space<hbm>> -> memref<5120xi32, #tpu.memory_space<hbm>>
      tpu.wait_dma2 semaphore(%run_scoped3A_17 : memref<!tpu.dma_semaphore, #tpu.memory_space<semaphore_mem>>) src(%dma_wait3A_23 : memref<5120xi32, #tpu.memory_space<hbm>>) dst(%arg6 : memref<5120xi32, #tpu.memory_space<vmem>>)
      tpu.yield
    }) : () -> ()
    %scan3A = arith.constant 0 : i32
    %scan3A_3 = arith.constant 0 : i32
    %scan3A_4 = arith.constant 320 : i32
    %scan3A_5 = arith.addi %scan3A_3, %scan3A_4 : i32
    %scan3A_6 = arith.constant 1 : i32
    scf.for %scan3A_17 = %scan3A_3 to %scan3A_5 step %scan3A_6  : i32 {
      %mul3A_18 = arith.constant 16 : i32
      %mul3A_19 = arith.muli %scan3A_17, %mul3A_18 : i32
      %get3A = arith.index_cast %mul3A_19 : i32 to index
      %get3A_20 = tpu.vector_load %arg6[%get3A] {strides = array<i32>} : memref<5120xi32, #tpu.memory_space<vmem>>, vector<16xi32>,
      %gather3A = tpu.vector_load_idx %arg5[%get3A_20] : memref<10240xi32, #tpu.memory_space<vmem>>[vector<16xi32>], vector<16xi32>,
      %mul3A_21 = arith.constant 16 : i32
      %mul3A_22 = arith.muli %scan3A_17, %mul3A_21 : i32
      %swap3A = arith.index_cast %mul3A_22 : i32 to index
      %swap3A_23 = tpu.vector_load %arg7[%swap3A] {strides = array<i32>} : memref<5120xi32, #tpu.memory_space<vmem>>, vector<16xi32>,
      tpu.vector_store %arg7[%swap3A], %gather3A {strides = array<i32>} : memref<5120xi32, #tpu.memory_space<vmem>>, vector<16xi32>,
    }
    %scan3A_7 = arith.constant 320 : i32
    %run_scoped3A_8 = arith.constant 0 : i32
    "tpu.region"() ({
      %run_scoped3A_17 = tpu.sem_alloc : memref<!tpu.dma_semaphore, #tpu.memory_space<semaphore_mem>>
      %dma_start3A = tpu.memref_slice %arg4[%run_scoped3A_8, %mul3A_2] : memref<2x163840xi32, #tpu.memory_space<hbm>> -> memref<1x5120xi32, #tpu.memory_space<hbm>>
      %dma_start3A_18 = tpu.memref_squeeze %dma_start3A : memref<1x5120xi32, #tpu.memory_space<hbm>> -> memref<5120xi32, #tpu.memory_space<hbm>>
      %dma_start3A_19 = tpu.memref_slice %arg4[%run_scoped3A_8, %mul3A_2] : memref<2x163840xi32, #tpu.memory_space<hbm>> -> memref<1x5120xi32, #tpu.memory_space<hbm>>
      %dma_start3A_20 = tpu.memref_squeeze %dma_start3A_19 : memref<1x5120xi32, #tpu.memory_space<hbm>> -> memref<5120xi32, #tpu.memory_space<hbm>>
      tpu.enqueue_dma source(%arg7 : memref<5120xi32, #tpu.memory_space<vmem>>) target(%dma_start3A_20 : memref<5120xi32, #tpu.memory_space<hbm>>) target_semaphore(%run_scoped3A_17 : memref<!tpu.dma_semaphore, #tpu.memory_space<semaphore_mem>>)
      %dma_wait3A = tpu.memref_slice %arg4[%run_scoped3A_8, %mul3A_2] : memref<2x163840xi32, #tpu.memory_space<hbm>> -> memref<1x5120xi32, #tpu.memory_space<hbm>>
      %dma_wait3A_21 = tpu.memref_squeeze %dma_wait3A : memref<1x5120xi32, #tpu.memory_space<hbm>> -> memref<5120xi32, #tpu.memory_space<hbm>>
      %dma_wait3A_22 = tpu.memref_slice %arg4[%run_scoped3A_8, %mul3A_2] : memref<2x163840xi32, #tpu.memory_space<hbm>> -> memref<1x5120xi32, #tpu.memory_space<hbm>>
      %dma_wait3A_23 = tpu.memref_squeeze %dma_wait3A_22 : memref<1x5120xi32, #tpu.memory_space<hbm>> -> memref<5120xi32, #tpu.memory_space<hbm>>
      tpu.wait_dma2 semaphore(%run_scoped3A_17 : memref<!tpu.dma_semaphore, #tpu.memory_space<semaphore_mem>>) src(%arg7 : memref<5120xi32, #tpu.memory_space<vmem>>) dst(%dma_wait3A_23 : memref<5120xi32, #tpu.memory_space<hbm>>)
      tpu.yield
    }) : () -> ()
    %run_scoped3A_9 = arith.constant 1 : i32
    "tpu.region"() ({
      %run_scoped3A_17 = tpu.sem_alloc : memref<!tpu.dma_semaphore, #tpu.memory_space<semaphore_mem>>
      %dma_start3A = tpu.memref_slice %arg3[%run_scoped3A_9, %mul3A_2] : memref<2x163840xi32, #tpu.memory_space<hbm>> -> memref<1x5120xi32, #tpu.memory_space<hbm>>
      %dma_start3A_18 = tpu.memref_squeeze %dma_start3A : memref<1x5120xi32, #tpu.memory_space<hbm>> -> memref<5120xi32, #tpu.memory_space<hbm>>
      %dma_start3A_19 = tpu.memref_slice %arg3[%run_scoped3A_9, %mul3A_2] : memref<2x163840xi32, #tpu.memory_space<hbm>> -> memref<1x5120xi32, #tpu.memory_space<hbm>>
      %dma_start3A_20 = tpu.memref_squeeze %dma_start3A_19 : memref<1x5120xi32, #tpu.memory_space<hbm>> -> memref<5120xi32, #tpu.memory_space<hbm>>
      tpu.enqueue_dma source(%dma_start3A_20 : memref<5120xi32, #tpu.memory_space<hbm>>) target(%arg6 : memref<5120xi32, #tpu.memory_space<vmem>>) target_semaphore(%run_scoped3A_17 : memref<!tpu.dma_semaphore, #tpu.memory_space<semaphore_mem>>)
      %dma_wait3A = tpu.memref_slice %arg3[%run_scoped3A_9, %mul3A_2] : memref<2x163840xi32, #tpu.memory_space<hbm>> -> memref<1x5120xi32, #tpu.memory_space<hbm>>
      %dma_wait3A_21 = tpu.memref_squeeze %dma_wait3A : memref<1x5120xi32, #tpu.memory_space<hbm>> -> memref<5120xi32, #tpu.memory_space<hbm>>
      %dma_wait3A_22 = tpu.memref_slice %arg3[%run_scoped3A_9, %mul3A_2] : memref<2x163840xi32, #tpu.memory_space<hbm>> -> memref<1x5120xi32, #tpu.memory_space<hbm>>
      %dma_wait3A_23 = tpu.memref_squeeze %dma_wait3A_22 : memref<1x5120xi32, #tpu.memory_space<hbm>> -> memref<5120xi32, #tpu.memory_space<hbm>>
      tpu.wait_dma2 semaphore(%run_scoped3A_17 : memref<!tpu.dma_semaphore, #tpu.memory_space<semaphore_mem>>) src(%dma_wait3A_23 : memref<5120xi32, #tpu.memory_space<hbm>>) dst(%arg6 : memref<5120xi32, #tpu.memory_space<vmem>>)
      tpu.yield
    }) : () -> ()
    %scan3A_10 = arith.constant 0 : i32
    %scan3A_11 = arith.constant 0 : i32
    %scan3A_12 = arith.constant 320 : i32
    %scan3A_13 = arith.addi %scan3A_11, %scan3A_12 : i32
    %scan3A_14 = arith.constant 1 : i32
    scf.for %scan3A_17 = %scan3A_11 to %scan3A_13 step %scan3A_14  : i32 {
      %mul3A_18 = arith.constant 16 : i32
      %mul3A_19 = arith.muli %scan3A_17, %mul3A_18 : i32
      %get3A = arith.index_cast %mul3A_19 : i32 to index
      %get3A_20 = tpu.vector_load %arg6[%get3A] {strides = array<i32>} : memref<5120xi32, #tpu.memory_space<vmem>>, vector<16xi32>,
      %gather3A = tpu.vector_load_idx %arg5[%get3A_20] : memref<10240xi32, #tpu.memory_space<vmem>>[vector<16xi32>], vector<16xi32>,
      %mul3A_21 = arith.constant 16 : i32
      %mul3A_22 = arith.muli %scan3A_17, %mul3A_21 : i32
      %swap3A = arith.index_cast %mul3A_22 : i32 to index
      %swap3A_23 = tpu.vector_load %arg7[%swap3A] {strides = array<i32>} : memref<5120xi32, #tpu.memory_space<vmem>>, vector<16xi32>,
      tpu.vector_store %arg7[%swap3A], %gather3A {strides = array<i32>} : memref<5120xi32, #tpu.memory_space<vmem>>, vector<16xi32>,
    }
    %scan3A_15 = arith.constant 320 : i32
    %run_scoped3A_16 = arith.constant 1 : i32
    "tpu.region"() ({
      %run_scoped3A_17 = tpu.sem_alloc : memref<!tpu.dma_semaphore, #tpu.memory_space<semaphore_mem>>
      %dma_start3A = tpu.memref_slice %arg4[%run_scoped3A_16, %mul3A_2] : memref<2x163840xi32, #tpu.memory_space<hbm>> -> memref<1x5120xi32, #tpu.memory_space<hbm>>
      %dma_start3A_18 = tpu.memref_squeeze %dma_start3A : memref<1x5120xi32, #tpu.memory_space<hbm>> -> memref<5120xi32, #tpu.memory_space<hbm>>
      %dma_start3A_19 = tpu.memref_slice %arg4[%run_scoped3A_16, %mul3A_2] : memref<2x163840xi32, #tpu.memory_space<hbm>> -> memref<1x5120xi32, #tpu.memory_space<hbm>>
      %dma_start3A_20 = tpu.memref_squeeze %dma_start3A_19 : memref<1x5120xi32, #tpu.memory_space<hbm>> -> memref<5120xi32, #tpu.memory_space<hbm>>
      tpu.enqueue_dma source(%arg7 : memref<5120xi32, #tpu.memory_space<vmem>>) target(%dma_start3A_20 : memref<5120xi32, #tpu.memory_space<hbm>>) target_semaphore(%run_scoped3A_17 : memref<!tpu.dma_semaphore, #tpu.memory_space<semaphore_mem>>)
      %dma_wait3A = tpu.memref_slice %arg4[%run_scoped3A_16, %mul3A_2] : memref<2x163840xi32, #tpu.memory_space<hbm>> -> memref<1x5120xi32, #tpu.memory_space<hbm>>
      %dma_wait3A_21 = tpu.memref_squeeze %dma_wait3A : memref<1x5120xi32, #tpu.memory_space<hbm>> -> memref<5120xi32, #tpu.memory_space<hbm>>
      %dma_wait3A_22 = tpu.memref_slice %arg4[%run_scoped3A_16, %mul3A_2] : memref<2x163840xi32, #tpu.memory_space<hbm>> -> memref<1x5120xi32, #tpu.memory_space<hbm>>
      %dma_wait3A_23 = tpu.memref_squeeze %dma_wait3A_22 : memref<1x5120xi32, #tpu.memory_space<hbm>> -> memref<5120xi32, #tpu.memory_space<hbm>>
      tpu.wait_dma2 semaphore(%run_scoped3A_17 : memref<!tpu.dma_semaphore, #tpu.memory_space<semaphore_mem>>) src(%arg7 : memref<5120xi32, #tpu.memory_space<vmem>>) dst(%dma_wait3A_23 : memref<5120xi32, #tpu.memory_space<hbm>>)
      tpu.yield
    }) : () -> ()
    return
  }
}

module attributes {stable_mosaic.version = 14 : i64} {
  func.func @_payload_body(%arg0: i32, %arg1: memref<2048x32xf32, #tpu.memory_space<vmem>>, %arg2: memref<6x2048xf32, #tpu.memory_space<vmem>>, %arg3: memref<128x64xf32, #tpu.memory_space<vmem>>, %arg4: memref<64x64xf32, #tpu.memory_space<vmem>>, %arg5: memref<64x64xf32, #tpu.memory_space<vmem>>, %arg6: memref<64xf32, #tpu.memory_space<vmem>>, %arg7: memref<32x192xf32, #tpu.memory_space<vmem>>, %arg8: memref<192xf32, #tpu.memory_space<vmem>>, %arg9: memref<10x2048x64xf32, #tpu.memory_space<vmem>>) attributes {dimension_semantics = [#tpu.dimension_semantics<arbitrary>], iteration_bounds = array<i64: 80>, scalar_prefetch = 0 : i64, scratch_operands = 0 : i64, tpu.core_type = #tpu.core_type<tc>, window_params = [{transform_indices = @transform_0, window_bounds = array<i64: 2048, 32>}, {transform_indices = @transform_1, window_bounds = array<i64: 6, 2048>}, {pipeline_mode = #tpu.pipeline_mode<synchronous>, transform_indices = @transform_2, window_bounds = array<i64: 128, 64>}, {pipeline_mode = #tpu.pipeline_mode<synchronous>, transform_indices = @transform_3, window_bounds = array<i64: 64, 64>}, {pipeline_mode = #tpu.pipeline_mode<synchronous>, transform_indices = @transform_4, window_bounds = array<i64: 64, 64>}, {pipeline_mode = #tpu.pipeline_mode<synchronous>, transform_indices = @transform_5, window_bounds = array<i64: 64>}, {pipeline_mode = #tpu.pipeline_mode<synchronous>, transform_indices = @transform_6, window_bounds = array<i64: 32, 192>}, {pipeline_mode = #tpu.pipeline_mode<synchronous>, transform_indices = @transform_7, window_bounds = array<i64: 192>}, {transform_indices = @transform_8, window_bounds = array<i64: 10, 2048, 64>}]} {
    %get3A = arith.constant 0 : index
    %get3A_0 = arith.constant 0 : index
    %get3A_1 = vector.load %arg3[%get3A, %get3A_0] : memref<128x64xf32, #tpu.memory_space<vmem>>, vector<128x64xf32>
    %get3A_2 = arith.constant 0 : index
    %get3A_3 = arith.constant 0 : index
    %get3A_4 = vector.load %arg4[%get3A_2, %get3A_3] : memref<64x64xf32, #tpu.memory_space<vmem>>, vector<64x64xf32>
    %dot_general3A = arith.constant dense<0.000000e+00> : vector<128x64xf32>
    %dot_general3A_5 = tpu.matmul %get3A_1, %get3A_4, %dot_general3A {dimension_numbers = #tpu.dot_dimension_numbers<[1], [0], [0], [1], [0, 0, 1, 1], [], []>, transpose_lhs_hint = false} : vector<128x64xf32>, vector<64x64xf32>, vector<128x64xf32> -> vector<128x64xf32>
    %get3A_6 = arith.constant 0 : index
    %get3A_7 = arith.constant 0 : index
    %get3A_8 = vector.load %arg3[%get3A_6, %get3A_7] : memref<128x64xf32, #tpu.memory_space<vmem>>, vector<128x64xf32>
    %get3A_9 = arith.constant 0 : index
    %get3A_10 = arith.constant 0 : index
    %get3A_11 = vector.load %arg5[%get3A_9, %get3A_10] : memref<64x64xf32, #tpu.memory_space<vmem>>, vector<64x64xf32>
    %dot_general3A_12 = arith.constant dense<0.000000e+00> : vector<128x64xf32>
    %dot_general3A_13 = tpu.matmul %get3A_8, %get3A_11, %dot_general3A_12 {dimension_numbers = #tpu.dot_dimension_numbers<[1], [0], [0], [1], [0, 0, 1, 1], [], []>, transpose_lhs_hint = false} : vector<128x64xf32>, vector<64x64xf32>, vector<128x64xf32> -> vector<128x64xf32>
    %get3A_14 = arith.constant 0 : index
    %get3A_15 = arith.constant 0 : index
    %get3A_16 = vector.load %arg2[%get3A_14, %get3A_15] : memref<6x2048xf32, #tpu.memory_space<vmem>>, vector<1x2048xf32>
    %get3A_17 = vector.shape_cast %get3A_16 : vector<1x2048xf32> to vector<2048xf32>
    %get3A_18 = arith.constant 1 : index
    %get3A_19 = arith.constant 0 : index
    %get3A_20 = vector.load %arg2[%get3A_18, %get3A_19] : memref<6x2048xf32, #tpu.memory_space<vmem>>, vector<1x2048xf32>
    %get3A_21 = vector.shape_cast %get3A_20 : vector<1x2048xf32> to vector<2048xf32>
    %get3A_22 = arith.constant 2 : index
    %get3A_23 = arith.constant 0 : index
    %get3A_24 = vector.load %arg2[%get3A_22, %get3A_23] : memref<6x2048xf32, #tpu.memory_space<vmem>>, vector<1x2048xf32>
    %get3A_25 = vector.shape_cast %get3A_24 : vector<1x2048xf32> to vector<2048xf32>
    %get3A_26 = arith.constant 3 : index
    %get3A_27 = arith.constant 0 : index
    %get3A_28 = vector.load %arg2[%get3A_26, %get3A_27] : memref<6x2048xf32, #tpu.memory_space<vmem>>, vector<1x2048xf32>
    %get3A_29 = vector.shape_cast %get3A_28 : vector<1x2048xf32> to vector<2048xf32>
    %get3A_30 = arith.constant 4 : index
    %get3A_31 = arith.constant 0 : index
    %get3A_32 = vector.load %arg2[%get3A_30, %get3A_31] : memref<6x2048xf32, #tpu.memory_space<vmem>>, vector<1x2048xf32>
    %get3A_33 = vector.shape_cast %get3A_32 : vector<1x2048xf32> to vector<2048xf32>
    %get3A_34 = arith.constant 5 : index
    %get3A_35 = arith.constant 0 : index
    %get3A_36 = vector.load %arg2[%get3A_34, %get3A_35] : memref<6x2048xf32, #tpu.memory_space<vmem>>, vector<1x2048xf32>
    %get3A_37 = vector.shape_cast %get3A_36 : vector<1x2048xf32> to vector<2048xf32>
    %iota3A = tpu.iota {dimensions = array<i32: 1>} : vector<2048x128xi32>
    %convert_element_type3A = arith.fptosi %get3A_33 : vector<2048xf32> to vector<2048xi32>
    %broadcast_in_dim3A = vector.shape_cast %convert_element_type3A : vector<2048xi32> to vector<2048x1xi32>
    %eq3A = vector.broadcast %broadcast_in_dim3A : vector<2048x1xi32> to vector<2048x128xi32>
    %eq3A_38 = arith.cmpi eq, %eq3A, %iota3A : vector<2048x128xi32>
    %convert_element_type3A_39 = arith.extui %eq3A_38 : vector<2048x128xi1> to vector<2048x128xi32>
    %convert_element_type3A_40 = arith.sitofp %convert_element_type3A_39 : vector<2048x128xi32> to vector<2048x128xf32>
    %convert_element_type3A_41 = arith.fptosi %get3A_37 : vector<2048xf32> to vector<2048xi32>
    %broadcast_in_dim3A_42 = vector.shape_cast %convert_element_type3A_41 : vector<2048xi32> to vector<2048x1xi32>
    %eq3A_43 = vector.broadcast %broadcast_in_dim3A_42 : vector<2048x1xi32> to vector<2048x128xi32>
    %eq3A_44 = arith.cmpi eq, %eq3A_43, %iota3A : vector<2048x128xi32>
    %convert_element_type3A_45 = arith.extui %eq3A_44 : vector<2048x128xi1> to vector<2048x128xi32>
    %convert_element_type3A_46 = arith.sitofp %convert_element_type3A_45 : vector<2048x128xi32> to vector<2048x128xf32>
    %dot_general3A_47 = arith.constant dense<0.000000e+00> : vector<2048x64xf32>
    %dot_general3A_48 = tpu.matmul %convert_element_type3A_40, %dot_general3A_5, %dot_general3A_47 {dimension_numbers = #tpu.dot_dimension_numbers<[1], [0], [0], [1], [0, 0, 1, 1], [], []>, transpose_lhs_hint = false} : vector<2048x128xf32>, vector<128x64xf32>, vector<2048x64xf32> -> vector<2048x64xf32>
    %dot_general3A_49 = arith.constant dense<0.000000e+00> : vector<2048x64xf32>
    %dot_general3A_50 = tpu.matmul %convert_element_type3A_46, %dot_general3A_13, %dot_general3A_49 {dimension_numbers = #tpu.dot_dimension_numbers<[1], [0], [0], [1], [0, 0, 1, 1], [], []>, transpose_lhs_hint = false} : vector<2048x128xf32>, vector<128x64xf32>, vector<2048x64xf32> -> vector<2048x64xf32>
    %add3A = arith.addf %dot_general3A_48, %dot_general3A_50 : vector<2048x64xf32>
    %get3A_51 = arith.constant 0 : index
    %get3A_52 = vector.load %arg6[%get3A_51] : memref<64xf32, #tpu.memory_space<vmem>>, vector<64xf32>
    %broadcast_in_dim3A_53 = vector.shape_cast %get3A_52 : vector<64xf32> to vector<1x64xf32>
    %add3A_54 = vector.broadcast %broadcast_in_dim3A_53 : vector<1x64xf32> to vector<2048x64xf32>
    %add3A_55 = arith.addf %add3A, %add3A_54 : vector<2048x64xf32>
    %mul3A = arith.constant 0.69813168 : f32
    %mul3A_56 = vector.broadcast %mul3A : f32 to vector<2048xf32>
    %mul3A_57 = arith.mulf %get3A_17, %mul3A_56 : vector<2048xf32>
    %cos3A = math.cos %mul3A_57 : vector<2048xf32>
    %add3A_58 = arith.constant 1.000000e+00 : f32
    %add3A_59 = vector.broadcast %add3A_58 : f32 to vector<2048xf32>
    %add3A_60 = arith.addf %cos3A, %add3A_59 : vector<2048xf32>
    %mul3A_61 = arith.constant 5.000000e-01 : f32
    %mul3A_62 = vector.broadcast %mul3A_61 : f32 to vector<2048xf32>
    %mul3A_63 = arith.mulf %mul3A_62, %add3A_60 : vector<2048xf32>
    %lt3A = arith.constant 4.500000e+00 : f32
    %lt3A_64 = vector.broadcast %lt3A : f32 to vector<2048xf32>
    %lt3A_65 = arith.cmpf olt, %get3A_17, %lt3A_64 : vector<2048xf32>
    %convert_element_type3A_66 = arith.extui %lt3A_65 : vector<2048xi1> to vector<2048xi32>
    %convert_element_type3A_67 = arith.sitofp %convert_element_type3A_66 : vector<2048xi32> to vector<2048xf32>
    %mul3A_68 = arith.mulf %mul3A_63, %convert_element_type3A_67 : vector<2048xf32>
    %broadcast_in_dim3A_69 = vector.shape_cast %mul3A_68 : vector<2048xf32> to vector<2048x1xf32>
    %mul3A_70 = vector.broadcast %broadcast_in_dim3A_69 : vector<2048x1xf32> to vector<2048x64xf32>
    %mul3A_71 = arith.mulf %mul3A_70, %add3A_55 : vector<2048x64xf32>
    %get3A_72 = arith.constant 0 : index
    %get3A_73 = arith.constant 0 : index
    %get3A_74 = vector.load %arg1[%get3A_72, %get3A_73] : memref<2048x32xf32, #tpu.memory_space<vmem>>, vector<2048x32xf32>
    %get3A_75 = arith.constant 0 : index
    %get3A_76 = arith.constant 0 : index
    %get3A_77 = vector.load %arg7[%get3A_75, %get3A_76] : memref<32x192xf32, #tpu.memory_space<vmem>>, vector<32x192xf32>
    %dot_general3A_78 = arith.constant dense<0.000000e+00> : vector<2048x192xf32>
    %dot_general3A_79 = tpu.matmul %get3A_74, %get3A_77, %dot_general3A_78 {dimension_numbers = #tpu.dot_dimension_numbers<[1], [0], [0], [1], [0, 0, 1, 1], [], []>, transpose_lhs_hint = false} : vector<2048x32xf32>, vector<32x192xf32>, vector<2048x192xf32> -> vector<2048x192xf32>
    %get3A_80 = arith.constant 0 : index
    %get3A_81 = vector.load %arg8[%get3A_80] : memref<192xf32, #tpu.memory_space<vmem>>, vector<192xf32>
    %broadcast_in_dim3A_82 = vector.shape_cast %get3A_81 : vector<192xf32> to vector<1x192xf32>
    %add3A_83 = vector.broadcast %broadcast_in_dim3A_82 : vector<1x192xf32> to vector<2048x192xf32>
    %add3A_84 = arith.addf %dot_general3A_79, %add3A_83 : vector<2048x192xf32>
    %slice3A = vector.extract_strided_slice %add3A_84 {offsets = [0, 0], sizes = [2048, 64], strides = [1, 1]} : vector<2048x192xf32> to vector<2048x64xf32>
    %mul3A_85 = arith.mulf %slice3A, %mul3A_71 : vector<2048x64xf32>
    %slice3A_86 = vector.extract_strided_slice %add3A_84 {offsets = [0, 64], sizes = [2048, 64], strides = [1, 1]} : vector<2048x192xf32> to vector<2048x64xf32>
    %mul3A_87 = arith.mulf %slice3A_86, %mul3A_71 : vector<2048x64xf32>
    %slice3A_88 = vector.extract_strided_slice %add3A_84 {offsets = [0, 128], sizes = [2048, 64], strides = [1, 1]} : vector<2048x192xf32> to vector<2048x64xf32>
    %mul3A_89 = arith.mulf %slice3A_88, %mul3A_71 : vector<2048x64xf32>
    %mul3A_90 = arith.mulf %get3A_21, %get3A_21 : vector<2048xf32>
    %mul3A_91 = arith.mulf %get3A_25, %get3A_25 : vector<2048xf32>
    %add3A_92 = arith.addf %mul3A_90, %mul3A_91 : vector<2048xf32>
    %mul3A_93 = arith.mulf %get3A_29, %get3A_29 : vector<2048xf32>
    %add3A_94 = arith.addf %add3A_92, %mul3A_93 : vector<2048xf32>
    %mul3A_95 = arith.constant 0.333333343 : f32
    %mul3A_96 = vector.broadcast %mul3A_95 : f32 to vector<2048xf32>
    %mul3A_97 = arith.mulf %add3A_94, %mul3A_96 : vector<2048xf32>
    %swap3A = arith.constant 0 : index
    %swap3A_98 = arith.constant 0 : index
    %swap3A_99 = arith.constant 0 : index
    %swap3A_100 = vector.load %arg9[%swap3A, %swap3A_98, %swap3A_99] : memref<10x2048x64xf32, #tpu.memory_space<vmem>>, vector<1x2048x64xf32>
    %swap3A_101 = vector.shape_cast %swap3A_100 : vector<1x2048x64xf32> to vector<2048x64xf32>
    %swap3A_102 = vector.shape_cast %mul3A_85 : vector<2048x64xf32> to vector<1x2048x64xf32>
    tpu.vector_store %arg9[%swap3A, %swap3A_98, %swap3A_99], %swap3A_102 {strides = array<i32>} : memref<10x2048x64xf32, #tpu.memory_space<vmem>>, vector<1x2048x64xf32>,
    %broadcast_in_dim3A_103 = vector.shape_cast %get3A_21 : vector<2048xf32> to vector<2048x1xf32>
    %mul3A_104 = vector.broadcast %broadcast_in_dim3A_103 : vector<2048x1xf32> to vector<2048x64xf32>
    %mul3A_105 = arith.mulf %mul3A_87, %mul3A_104 : vector<2048x64xf32>
    %swap3A_106 = arith.constant 1 : index
    %swap3A_107 = arith.constant 0 : index
    %swap3A_108 = arith.constant 0 : index
    %swap3A_109 = vector.load %arg9[%swap3A_106, %swap3A_107, %swap3A_108] : memref<10x2048x64xf32, #tpu.memory_space<vmem>>, vector<1x2048x64xf32>
    %swap3A_110 = vector.shape_cast %swap3A_109 : vector<1x2048x64xf32> to vector<2048x64xf32>
    %swap3A_111 = vector.shape_cast %mul3A_105 : vector<2048x64xf32> to vector<1x2048x64xf32>
    tpu.vector_store %arg9[%swap3A_106, %swap3A_107, %swap3A_108], %swap3A_111 {strides = array<i32>} : memref<10x2048x64xf32, #tpu.memory_space<vmem>>, vector<1x2048x64xf32>,
    %broadcast_in_dim3A_112 = vector.shape_cast %get3A_25 : vector<2048xf32> to vector<2048x1xf32>
    %mul3A_113 = vector.broadcast %broadcast_in_dim3A_112 : vector<2048x1xf32> to vector<2048x64xf32>
    %mul3A_114 = arith.mulf %mul3A_87, %mul3A_113 : vector<2048x64xf32>
    %swap3A_115 = arith.constant 2 : index
    %swap3A_116 = arith.constant 0 : index
    %swap3A_117 = arith.constant 0 : index
    %swap3A_118 = vector.load %arg9[%swap3A_115, %swap3A_116, %swap3A_117] : memref<10x2048x64xf32, #tpu.memory_space<vmem>>, vector<1x2048x64xf32>
    %swap3A_119 = vector.shape_cast %swap3A_118 : vector<1x2048x64xf32> to vector<2048x64xf32>
    %swap3A_120 = vector.shape_cast %mul3A_114 : vector<2048x64xf32> to vector<1x2048x64xf32>
    tpu.vector_store %arg9[%swap3A_115, %swap3A_116, %swap3A_117], %swap3A_120 {strides = array<i32>} : memref<10x2048x64xf32, #tpu.memory_space<vmem>>, vector<1x2048x64xf32>,
    %broadcast_in_dim3A_121 = vector.shape_cast %get3A_29 : vector<2048xf32> to vector<2048x1xf32>
    %mul3A_122 = vector.broadcast %broadcast_in_dim3A_121 : vector<2048x1xf32> to vector<2048x64xf32>
    %mul3A_123 = arith.mulf %mul3A_87, %mul3A_122 : vector<2048x64xf32>
    %swap3A_124 = arith.constant 3 : index
    %swap3A_125 = arith.constant 0 : index
    %swap3A_126 = arith.constant 0 : index
    %swap3A_127 = vector.load %arg9[%swap3A_124, %swap3A_125, %swap3A_126] : memref<10x2048x64xf32, #tpu.memory_space<vmem>>, vector<1x2048x64xf32>
    %swap3A_128 = vector.shape_cast %swap3A_127 : vector<1x2048x64xf32> to vector<2048x64xf32>
    %swap3A_129 = vector.shape_cast %mul3A_123 : vector<2048x64xf32> to vector<1x2048x64xf32>
    tpu.vector_store %arg9[%swap3A_124, %swap3A_125, %swap3A_126], %swap3A_129 {strides = array<i32>} : memref<10x2048x64xf32, #tpu.memory_space<vmem>>, vector<1x2048x64xf32>,
    %mul3A_130 = arith.mulf %get3A_21, %get3A_21 : vector<2048xf32>
    %sub3A = arith.subf %mul3A_130, %mul3A_97 : vector<2048xf32>
    %broadcast_in_dim3A_131 = vector.shape_cast %sub3A : vector<2048xf32> to vector<2048x1xf32>
    %mul3A_132 = vector.broadcast %broadcast_in_dim3A_131 : vector<2048x1xf32> to vector<2048x64xf32>
    %mul3A_133 = arith.mulf %mul3A_89, %mul3A_132 : vector<2048x64xf32>
    %swap3A_134 = arith.constant 4 : index
    %swap3A_135 = arith.constant 0 : index
    %swap3A_136 = arith.constant 0 : index
    %swap3A_137 = vector.load %arg9[%swap3A_134, %swap3A_135, %swap3A_136] : memref<10x2048x64xf32, #tpu.memory_space<vmem>>, vector<1x2048x64xf32>
    %swap3A_138 = vector.shape_cast %swap3A_137 : vector<1x2048x64xf32> to vector<2048x64xf32>
    %swap3A_139 = vector.shape_cast %mul3A_133 : vector<2048x64xf32> to vector<1x2048x64xf32>
    tpu.vector_store %arg9[%swap3A_134, %swap3A_135, %swap3A_136], %swap3A_139 {strides = array<i32>} : memref<10x2048x64xf32, #tpu.memory_space<vmem>>, vector<1x2048x64xf32>,
    %mul3A_140 = arith.mulf %get3A_25, %get3A_25 : vector<2048xf32>
    %sub3A_141 = arith.subf %mul3A_140, %mul3A_97 : vector<2048xf32>
    %broadcast_in_dim3A_142 = vector.shape_cast %sub3A_141 : vector<2048xf32> to vector<2048x1xf32>
    %mul3A_143 = vector.broadcast %broadcast_in_dim3A_142 : vector<2048x1xf32> to vector<2048x64xf32>
    %mul3A_144 = arith.mulf %mul3A_89, %mul3A_143 : vector<2048x64xf32>
    %swap3A_145 = arith.constant 5 : index
    %swap3A_146 = arith.constant 0 : index
    %swap3A_147 = arith.constant 0 : index
    %swap3A_148 = vector.load %arg9[%swap3A_145, %swap3A_146, %swap3A_147] : memref<10x2048x64xf32, #tpu.memory_space<vmem>>, vector<1x2048x64xf32>
    %swap3A_149 = vector.shape_cast %swap3A_148 : vector<1x2048x64xf32> to vector<2048x64xf32>
    %swap3A_150 = vector.shape_cast %mul3A_144 : vector<2048x64xf32> to vector<1x2048x64xf32>
    tpu.vector_store %arg9[%swap3A_145, %swap3A_146, %swap3A_147], %swap3A_150 {strides = array<i32>} : memref<10x2048x64xf32, #tpu.memory_space<vmem>>, vector<1x2048x64xf32>,
    %mul3A_151 = arith.mulf %get3A_29, %get3A_29 : vector<2048xf32>
    %sub3A_152 = arith.subf %mul3A_151, %mul3A_97 : vector<2048xf32>
    %broadcast_in_dim3A_153 = vector.shape_cast %sub3A_152 : vector<2048xf32> to vector<2048x1xf32>
    %mul3A_154 = vector.broadcast %broadcast_in_dim3A_153 : vector<2048x1xf32> to vector<2048x64xf32>
    %mul3A_155 = arith.mulf %mul3A_89, %mul3A_154 : vector<2048x64xf32>
    %swap3A_156 = arith.constant 6 : index
    %swap3A_157 = arith.constant 0 : index
    %swap3A_158 = arith.constant 0 : index
    %swap3A_159 = vector.load %arg9[%swap3A_156, %swap3A_157, %swap3A_158] : memref<10x2048x64xf32, #tpu.memory_space<vmem>>, vector<1x2048x64xf32>
    %swap3A_160 = vector.shape_cast %swap3A_159 : vector<1x2048x64xf32> to vector<2048x64xf32>
    %swap3A_161 = vector.shape_cast %mul3A_155 : vector<2048x64xf32> to vector<1x2048x64xf32>
    tpu.vector_store %arg9[%swap3A_156, %swap3A_157, %swap3A_158], %swap3A_161 {strides = array<i32>} : memref<10x2048x64xf32, #tpu.memory_space<vmem>>, vector<1x2048x64xf32>,
    %mul3A_162 = arith.mulf %get3A_21, %get3A_25 : vector<2048xf32>
    %broadcast_in_dim3A_163 = vector.shape_cast %mul3A_162 : vector<2048xf32> to vector<2048x1xf32>
    %mul3A_164 = vector.broadcast %broadcast_in_dim3A_163 : vector<2048x1xf32> to vector<2048x64xf32>
    %mul3A_165 = arith.mulf %mul3A_89, %mul3A_164 : vector<2048x64xf32>
    %swap3A_166 = arith.constant 7 : index
    %swap3A_167 = arith.constant 0 : index
    %swap3A_168 = arith.constant 0 : index
    %swap3A_169 = vector.load %arg9[%swap3A_166, %swap3A_167, %swap3A_168] : memref<10x2048x64xf32, #tpu.memory_space<vmem>>, vector<1x2048x64xf32>
    %swap3A_170 = vector.shape_cast %swap3A_169 : vector<1x2048x64xf32> to vector<2048x64xf32>
    %swap3A_171 = vector.shape_cast %mul3A_165 : vector<2048x64xf32> to vector<1x2048x64xf32>
    tpu.vector_store %arg9[%swap3A_166, %swap3A_167, %swap3A_168], %swap3A_171 {strides = array<i32>} : memref<10x2048x64xf32, #tpu.memory_space<vmem>>, vector<1x2048x64xf32>,
    %mul3A_172 = arith.mulf %get3A_21, %get3A_29 : vector<2048xf32>
    %broadcast_in_dim3A_173 = vector.shape_cast %mul3A_172 : vector<2048xf32> to vector<2048x1xf32>
    %mul3A_174 = vector.broadcast %broadcast_in_dim3A_173 : vector<2048x1xf32> to vector<2048x64xf32>
    %mul3A_175 = arith.mulf %mul3A_89, %mul3A_174 : vector<2048x64xf32>
    %swap3A_176 = arith.constant 8 : index
    %swap3A_177 = arith.constant 0 : index
    %swap3A_178 = arith.constant 0 : index
    %swap3A_179 = vector.load %arg9[%swap3A_176, %swap3A_177, %swap3A_178] : memref<10x2048x64xf32, #tpu.memory_space<vmem>>, vector<1x2048x64xf32>
    %swap3A_180 = vector.shape_cast %swap3A_179 : vector<1x2048x64xf32> to vector<2048x64xf32>
    %swap3A_181 = vector.shape_cast %mul3A_175 : vector<2048x64xf32> to vector<1x2048x64xf32>
    tpu.vector_store %arg9[%swap3A_176, %swap3A_177, %swap3A_178], %swap3A_181 {strides = array<i32>} : memref<10x2048x64xf32, #tpu.memory_space<vmem>>, vector<1x2048x64xf32>,
    %mul3A_182 = arith.mulf %get3A_25, %get3A_29 : vector<2048xf32>
    %broadcast_in_dim3A_183 = vector.shape_cast %mul3A_182 : vector<2048xf32> to vector<2048x1xf32>
    %mul3A_184 = vector.broadcast %broadcast_in_dim3A_183 : vector<2048x1xf32> to vector<2048x64xf32>
    %mul3A_185 = arith.mulf %mul3A_89, %mul3A_184 : vector<2048x64xf32>
    %swap3A_186 = arith.constant 9 : index
    %swap3A_187 = arith.constant 0 : index
    %swap3A_188 = arith.constant 0 : index
    %swap3A_189 = vector.load %arg9[%swap3A_186, %swap3A_187, %swap3A_188] : memref<10x2048x64xf32, #tpu.memory_space<vmem>>, vector<1x2048x64xf32>
    %swap3A_190 = vector.shape_cast %swap3A_189 : vector<1x2048x64xf32> to vector<2048x64xf32>
    %swap3A_191 = vector.shape_cast %mul3A_185 : vector<2048x64xf32> to vector<1x2048x64xf32>
    tpu.vector_store %arg9[%swap3A_186, %swap3A_187, %swap3A_188], %swap3A_191 {strides = array<i32>} : memref<10x2048x64xf32, #tpu.memory_space<vmem>>, vector<1x2048x64xf32>,
    return
  }
  func.func @transform_0(%arg0: i32) -> (i32, i32) {
    %c0_i32 = arith.constant 0 : i32
    %c0_i32_0 = arith.constant 0 : i32
    return %arg0, %c0_i32 : i32, i32
  }
  func.func @transform_1(%arg0: i32) -> (i32, i32) {
    %c0_i32 = arith.constant 0 : i32
    %c0_i32_0 = arith.constant 0 : i32
    return %c0_i32, %arg0 : i32, i32
  }
  func.func @transform_2(%arg0: i32) -> (i32, i32) {
    %c0_i32 = arith.constant 0 : i32
    %c0_i32_0 = arith.constant 0 : i32
    %c0_i32_1 = arith.constant 0 : i32
    return %c0_i32, %c0_i32_0 : i32, i32
  }
  func.func @transform_3(%arg0: i32) -> (i32, i32) {
    %c0_i32 = arith.constant 0 : i32
    %c0_i32_0 = arith.constant 0 : i32
    %c0_i32_1 = arith.constant 0 : i32
    return %c0_i32, %c0_i32_0 : i32, i32
  }
  func.func @transform_4(%arg0: i32) -> (i32, i32) {
    %c0_i32 = arith.constant 0 : i32
    %c0_i32_0 = arith.constant 0 : i32
    %c0_i32_1 = arith.constant 0 : i32
    return %c0_i32, %c0_i32_0 : i32, i32
  }
  func.func @transform_5(%arg0: i32) -> i32 {
    %c0_i32 = arith.constant 0 : i32
    %c0_i32_0 = arith.constant 0 : i32
    return %c0_i32 : i32
  }
  func.func @transform_6(%arg0: i32) -> (i32, i32) {
    %c0_i32 = arith.constant 0 : i32
    %c0_i32_0 = arith.constant 0 : i32
    %c0_i32_1 = arith.constant 0 : i32
    return %c0_i32, %c0_i32_0 : i32, i32
  }
  func.func @transform_7(%arg0: i32) -> i32 {
    %c0_i32 = arith.constant 0 : i32
    %c0_i32_0 = arith.constant 0 : i32
    return %c0_i32 : i32
  }
  func.func @transform_8(%arg0: i32) -> (i32, i32, i32) {
    %c0_i32 = arith.constant 0 : i32
    %c0_i32_0 = arith.constant 0 : i32
    %c0_i32_1 = arith.constant 0 : i32
    return %c0_i32, %arg0, %c0_i32_0 : i32, i32, i32
  }
}

module attributes {stable_mosaic.version = 14 : i64} {
  func.func @_epi_body(%arg0: i32, %arg1: memref<10x640x64xf32, #tpu.memory_space<vmem>>, %arg2: memref<64xf32, #tpu.memory_space<vmem>>, %arg3: memref<64xf32, #tpu.memory_space<vmem>>, %arg4: memref<64x128xf32, #tpu.memory_space<vmem>>, %arg5: memref<128xf32, #tpu.memory_space<vmem>>, %arg6: memref<128x192xf32, #tpu.memory_space<vmem>>, %arg7: memref<192xf32, #tpu.memory_space<vmem>>, %arg8: memref<64x64xf32, #tpu.memory_space<vmem>>, %arg9: memref<64x64xf32, #tpu.memory_space<vmem>>, %arg10: memref<64x64xf32, #tpu.memory_space<vmem>>, %arg11: memref<9x640x64xf32, #tpu.memory_space<vmem>>) attributes {dimension_semantics = [#tpu.dimension_semantics<arbitrary>], iteration_bounds = array<i64: 16>, scalar_prefetch = 0 : i64, scratch_operands = 0 : i64, tpu.core_type = #tpu.core_type<tc>, window_params = [{transform_indices = @transform_0, window_bounds = array<i64: 10, 640, 64>}, {pipeline_mode = #tpu.pipeline_mode<synchronous>, transform_indices = @transform_1, window_bounds = array<i64: 64>}, {pipeline_mode = #tpu.pipeline_mode<synchronous>, transform_indices = @transform_2, window_bounds = array<i64: 64>}, {pipeline_mode = #tpu.pipeline_mode<synchronous>, transform_indices = @transform_3, window_bounds = array<i64: 64, 128>}, {pipeline_mode = #tpu.pipeline_mode<synchronous>, transform_indices = @transform_4, window_bounds = array<i64: 128>}, {pipeline_mode = #tpu.pipeline_mode<synchronous>, transform_indices = @transform_5, window_bounds = array<i64: 128, 192>}, {pipeline_mode = #tpu.pipeline_mode<synchronous>, transform_indices = @transform_6, window_bounds = array<i64: 192>}, {pipeline_mode = #tpu.pipeline_mode<synchronous>, transform_indices = @transform_7, window_bounds = array<i64: 64, 64>}, {pipeline_mode = #tpu.pipeline_mode<synchronous>, transform_indices = @transform_8, window_bounds = array<i64: 64, 64>}, {pipeline_mode = #tpu.pipeline_mode<synchronous>, transform_indices = @transform_9, window_bounds = array<i64: 64, 64>}, {transform_indices = @transform_10, window_bounds = array<i64: 9, 640, 64>}]} {
    %get3A = arith.constant 0 : index
    %get3A_0 = arith.constant 0 : index
    %get3A_1 = arith.constant 0 : index
    %get3A_2 = vector.load %arg1[%get3A, %get3A_0, %get3A_1] : memref<10x640x64xf32, #tpu.memory_space<vmem>>, vector<1x640x64xf32>
    %get3A_3 = vector.shape_cast %get3A_2 : vector<1x640x64xf32> to vector<640x64xf32>
    %get3A_4 = arith.constant 1 : index
    %get3A_5 = arith.constant 0 : index
    %get3A_6 = arith.constant 0 : index
    %get3A_7 = vector.load %arg1[%get3A_4, %get3A_5, %get3A_6] : memref<10x640x64xf32, #tpu.memory_space<vmem>>, vector<1x640x64xf32>
    %get3A_8 = vector.shape_cast %get3A_7 : vector<1x640x64xf32> to vector<640x64xf32>
    %get3A_9 = arith.constant 2 : index
    %get3A_10 = arith.constant 0 : index
    %get3A_11 = arith.constant 0 : index
    %get3A_12 = vector.load %arg1[%get3A_9, %get3A_10, %get3A_11] : memref<10x640x64xf32, #tpu.memory_space<vmem>>, vector<1x640x64xf32>
    %get3A_13 = vector.shape_cast %get3A_12 : vector<1x640x64xf32> to vector<640x64xf32>
    %get3A_14 = arith.constant 3 : index
    %get3A_15 = arith.constant 0 : index
    %get3A_16 = arith.constant 0 : index
    %get3A_17 = vector.load %arg1[%get3A_14, %get3A_15, %get3A_16] : memref<10x640x64xf32, #tpu.memory_space<vmem>>, vector<1x640x64xf32>
    %get3A_18 = vector.shape_cast %get3A_17 : vector<1x640x64xf32> to vector<640x64xf32>
    %get3A_19 = arith.constant 4 : index
    %get3A_20 = arith.constant 0 : index
    %get3A_21 = arith.constant 0 : index
    %get3A_22 = vector.load %arg1[%get3A_19, %get3A_20, %get3A_21] : memref<10x640x64xf32, #tpu.memory_space<vmem>>, vector<1x640x64xf32>
    %get3A_23 = vector.shape_cast %get3A_22 : vector<1x640x64xf32> to vector<640x64xf32>
    %get3A_24 = arith.constant 5 : index
    %get3A_25 = arith.constant 0 : index
    %get3A_26 = arith.constant 0 : index
    %get3A_27 = vector.load %arg1[%get3A_24, %get3A_25, %get3A_26] : memref<10x640x64xf32, #tpu.memory_space<vmem>>, vector<1x640x64xf32>
    %get3A_28 = vector.shape_cast %get3A_27 : vector<1x640x64xf32> to vector<640x64xf32>
    %get3A_29 = arith.constant 6 : index
    %get3A_30 = arith.constant 0 : index
    %get3A_31 = arith.constant 0 : index
    %get3A_32 = vector.load %arg1[%get3A_29, %get3A_30, %get3A_31] : memref<10x640x64xf32, #tpu.memory_space<vmem>>, vector<1x640x64xf32>
    %get3A_33 = vector.shape_cast %get3A_32 : vector<1x640x64xf32> to vector<640x64xf32>
    %get3A_34 = arith.constant 7 : index
    %get3A_35 = arith.constant 0 : index
    %get3A_36 = arith.constant 0 : index
    %get3A_37 = vector.load %arg1[%get3A_34, %get3A_35, %get3A_36] : memref<10x640x64xf32, #tpu.memory_space<vmem>>, vector<1x640x64xf32>
    %get3A_38 = vector.shape_cast %get3A_37 : vector<1x640x64xf32> to vector<640x64xf32>
    %get3A_39 = arith.constant 8 : index
    %get3A_40 = arith.constant 0 : index
    %get3A_41 = arith.constant 0 : index
    %get3A_42 = vector.load %arg1[%get3A_39, %get3A_40, %get3A_41] : memref<10x640x64xf32, #tpu.memory_space<vmem>>, vector<1x640x64xf32>
    %get3A_43 = vector.shape_cast %get3A_42 : vector<1x640x64xf32> to vector<640x64xf32>
    %get3A_44 = arith.constant 9 : index
    %get3A_45 = arith.constant 0 : index
    %get3A_46 = arith.constant 0 : index
    %get3A_47 = vector.load %arg1[%get3A_44, %get3A_45, %get3A_46] : memref<10x640x64xf32, #tpu.memory_space<vmem>>, vector<1x640x64xf32>
    %get3A_48 = vector.shape_cast %get3A_47 : vector<1x640x64xf32> to vector<640x64xf32>
    %mul3A = arith.constant 3.000000e+00 : f32
    %mul3A_49 = vector.broadcast %mul3A : f32 to vector<640x64xf32>
    %mul3A_50 = arith.mulf %mul3A_49, %get3A_3 : vector<640x64xf32>
    %mul3A_51 = arith.mulf %mul3A_50, %get3A_3 : vector<640x64xf32>
    %mul3A_52 = arith.mulf %get3A_8, %get3A_8 : vector<640x64xf32>
    %mul3A_53 = arith.mulf %get3A_13, %get3A_13 : vector<640x64xf32>
    %add3A = arith.addf %mul3A_52, %mul3A_53 : vector<640x64xf32>
    %mul3A_54 = arith.mulf %get3A_18, %get3A_18 : vector<640x64xf32>
    %add3A_55 = arith.addf %add3A, %mul3A_54 : vector<640x64xf32>
    %mul3A_56 = arith.constant 2.000000e+00 : f32
    %mul3A_57 = vector.broadcast %mul3A_56 : f32 to vector<640x64xf32>
    %mul3A_58 = arith.mulf %mul3A_57, %add3A_55 : vector<640x64xf32>
    %add3A_59 = arith.addf %mul3A_51, %mul3A_58 : vector<640x64xf32>
    %mul3A_60 = arith.mulf %get3A_23, %get3A_23 : vector<640x64xf32>
    %add3A_61 = arith.addf %add3A_59, %mul3A_60 : vector<640x64xf32>
    %mul3A_62 = arith.mulf %get3A_28, %get3A_28 : vector<640x64xf32>
    %add3A_63 = arith.addf %add3A_61, %mul3A_62 : vector<640x64xf32>
    %mul3A_64 = arith.mulf %get3A_33, %get3A_33 : vector<640x64xf32>
    %add3A_65 = arith.addf %add3A_63, %mul3A_64 : vector<640x64xf32>
    %mul3A_66 = arith.mulf %get3A_38, %get3A_38 : vector<640x64xf32>
    %mul3A_67 = arith.mulf %get3A_43, %get3A_43 : vector<640x64xf32>
    %add3A_68 = arith.addf %mul3A_66, %mul3A_67 : vector<640x64xf32>
    %mul3A_69 = arith.mulf %get3A_48, %get3A_48 : vector<640x64xf32>
    %add3A_70 = arith.addf %add3A_68, %mul3A_69 : vector<640x64xf32>
    %mul3A_71 = arith.constant 2.000000e+00 : f32
    %mul3A_72 = vector.broadcast %mul3A_71 : f32 to vector<640x64xf32>
    %mul3A_73 = arith.mulf %mul3A_72, %add3A_70 : vector<640x64xf32>
    %add3A_74 = arith.addf %add3A_65, %mul3A_73 : vector<640x64xf32>
    %reduce_sum3A = arith.constant dense<0.000000e+00> : vector<640xf32>
    %reduce_sum3A_75 = vector.multi_reduction <add>, %add3A_74, %reduce_sum3A [1] : vector<640x64xf32> to vector<640xf32>
    %broadcast_in_dim3A = vector.shape_cast %reduce_sum3A_75 : vector<640xf32> to vector<640x1xf32>
    %div3A = arith.constant 6.400000e+01 : f32
    %div3A_76 = vector.broadcast %div3A : f32 to vector<640x1xf32>
    %div3A_77 = arith.divf %broadcast_in_dim3A, %div3A_76 : vector<640x1xf32>
    %sub3A = vector.broadcast %div3A_77 : vector<640x1xf32> to vector<640x64xf32>
    %sub3A_78 = arith.subf %add3A_74, %sub3A : vector<640x64xf32>
    %integer_pow3A = arith.mulf %sub3A_78, %sub3A_78 : vector<640x64xf32>
    %reduce_sum3A_79 = arith.constant dense<0.000000e+00> : vector<640xf32>
    %reduce_sum3A_80 = vector.multi_reduction <add>, %integer_pow3A, %reduce_sum3A_79 [1] : vector<640x64xf32> to vector<640xf32>
    %broadcast_in_dim3A_81 = vector.shape_cast %reduce_sum3A_80 : vector<640xf32> to vector<640x1xf32>
    %div3A_82 = arith.constant 6.400000e+01 : f32
    %div3A_83 = vector.broadcast %div3A_82 : f32 to vector<640x1xf32>
    %div3A_84 = arith.divf %broadcast_in_dim3A_81, %div3A_83 : vector<640x1xf32>
    %sub3A_85 = vector.broadcast %div3A_77 : vector<640x1xf32> to vector<640x64xf32>
    %sub3A_86 = arith.subf %add3A_74, %sub3A_85 : vector<640x64xf32>
    %add3A_87 = arith.constant 9.99999974E-6 : f32
    %add3A_88 = vector.broadcast %add3A_87 : f32 to vector<640x1xf32>
    %add3A_89 = arith.addf %div3A_84, %add3A_88 : vector<640x1xf32>
    %rsqrt3A = math.rsqrt %add3A_89 : vector<640x1xf32>
    %mul3A_90 = vector.broadcast %rsqrt3A : vector<640x1xf32> to vector<640x64xf32>
    %mul3A_91 = arith.mulf %sub3A_86, %mul3A_90 : vector<640x64xf32>
    %get3A_92 = arith.constant 0 : index
    %get3A_93 = vector.load %arg2[%get3A_92] : memref<64xf32, #tpu.memory_space<vmem>>, vector<64xf32>
    %broadcast_in_dim3A_94 = vector.shape_cast %get3A_93 : vector<64xf32> to vector<1x64xf32>
    %mul3A_95 = vector.broadcast %broadcast_in_dim3A_94 : vector<1x64xf32> to vector<640x64xf32>
    %mul3A_96 = arith.mulf %mul3A_91, %mul3A_95 : vector<640x64xf32>
    %get3A_97 = arith.constant 0 : index
    %get3A_98 = vector.load %arg3[%get3A_97] : memref<64xf32, #tpu.memory_space<vmem>>, vector<64xf32>
    %broadcast_in_dim3A_99 = vector.shape_cast %get3A_98 : vector<64xf32> to vector<1x64xf32>
    %add3A_100 = vector.broadcast %broadcast_in_dim3A_99 : vector<1x64xf32> to vector<640x64xf32>
    %add3A_101 = arith.addf %mul3A_96, %add3A_100 : vector<640x64xf32>
    %get3A_102 = arith.constant 0 : index
    %get3A_103 = arith.constant 0 : index
    %get3A_104 = vector.load %arg4[%get3A_102, %get3A_103] : memref<64x128xf32, #tpu.memory_space<vmem>>, vector<64x128xf32>
    %dot_general3A = arith.constant dense<0.000000e+00> : vector<640x128xf32>
    %dot_general3A_105 = tpu.matmul %add3A_101, %get3A_104, %dot_general3A {dimension_numbers = #tpu.dot_dimension_numbers<[1], [0], [0], [1], [0, 0, 1, 1], [], []>, transpose_lhs_hint = false} : vector<640x64xf32>, vector<64x128xf32>, vector<640x128xf32> -> vector<640x128xf32>
    %get3A_106 = arith.constant 0 : index
    %get3A_107 = vector.load %arg5[%get3A_106] : memref<128xf32, #tpu.memory_space<vmem>>, vector<128xf32>
    %broadcast_in_dim3A_108 = vector.shape_cast %get3A_107 : vector<128xf32> to vector<1x128xf32>
    %add3A_109 = vector.broadcast %broadcast_in_dim3A_108 : vector<1x128xf32> to vector<640x128xf32>
    %add3A_110 = arith.addf %dot_general3A_105, %add3A_109 : vector<640x128xf32>
    %logistic3A = arith.negf %add3A_110 : vector<640x128xf32>
    %logistic3A_111 = math.exp %logistic3A : vector<640x128xf32>
    %logistic3A_112 = arith.constant 1.000000e+00 : f32
    %logistic3A_113 = vector.broadcast %logistic3A_112 : f32 to vector<640x128xf32>
    %logistic3A_114 = arith.addf %logistic3A_113, %logistic3A_111 : vector<640x128xf32>
    %logistic3A_115 = arith.divf %logistic3A_113, %logistic3A_114 : vector<640x128xf32>
    %mul3A_116 = arith.mulf %add3A_110, %logistic3A_115 : vector<640x128xf32>
    %get3A_117 = arith.constant 0 : index
    %get3A_118 = arith.constant 0 : index
    %get3A_119 = vector.load %arg6[%get3A_117, %get3A_118] : memref<128x192xf32, #tpu.memory_space<vmem>>, vector<128x192xf32>
    %dot_general3A_120 = arith.constant dense<0.000000e+00> : vector<640x192xf32>
    %dot_general3A_121 = tpu.matmul %mul3A_116, %get3A_119, %dot_general3A_120 {dimension_numbers = #tpu.dot_dimension_numbers<[1], [0], [0], [1], [0, 0, 1, 1], [], []>, transpose_lhs_hint = false} : vector<640x128xf32>, vector<128x192xf32>, vector<640x192xf32> -> vector<640x192xf32>
    %get3A_122 = arith.constant 0 : index
    %get3A_123 = vector.load %arg7[%get3A_122] : memref<192xf32, #tpu.memory_space<vmem>>, vector<192xf32>
    %broadcast_in_dim3A_124 = vector.shape_cast %get3A_123 : vector<192xf32> to vector<1x192xf32>
    %add3A_125 = vector.broadcast %broadcast_in_dim3A_124 : vector<1x192xf32> to vector<640x192xf32>
    %add3A_126 = arith.addf %dot_general3A_121, %add3A_125 : vector<640x192xf32>
    %logistic3A_127 = arith.negf %add3A_126 : vector<640x192xf32>
    %logistic3A_128 = math.exp %logistic3A_127 : vector<640x192xf32>
    %logistic3A_129 = arith.constant 1.000000e+00 : f32
    %logistic3A_130 = vector.broadcast %logistic3A_129 : f32 to vector<640x192xf32>
    %logistic3A_131 = arith.addf %logistic3A_130, %logistic3A_128 : vector<640x192xf32>
    %logistic3A_132 = arith.divf %logistic3A_130, %logistic3A_131 : vector<640x192xf32>
    %mul3A_133 = arith.mulf %add3A_126, %logistic3A_132 : vector<640x192xf32>
    %iota3A = tpu.iota {dimensions = array<i32: 0>} : vector<192x64xi32>
    %iota3A_134 = tpu.iota {dimensions = array<i32: 1>} : vector<192x64xi32>
    %mul3A_135 = arith.constant 3 : i32
    %mul3A_136 = vector.broadcast %mul3A_135 : i32 to vector<192x64xi32>
    %mul3A_137 = arith.muli %mul3A_136, %iota3A_134 : vector<192x64xi32>
    %eq3A = arith.cmpi eq, %iota3A, %mul3A_137 : vector<192x64xi32>
    %convert_element_type3A = arith.extui %eq3A : vector<192x64xi1> to vector<192x64xi32>
    %convert_element_type3A_138 = arith.sitofp %convert_element_type3A : vector<192x64xi32> to vector<192x64xf32>
    %dot_general3A_139 = arith.constant dense<0.000000e+00> : vector<640x64xf32>
    %dot_general3A_140 = tpu.matmul %mul3A_133, %convert_element_type3A_138, %dot_general3A_139 {dimension_numbers = #tpu.dot_dimension_numbers<[1], [0], [0], [1], [0, 0, 1, 1], [], []>, transpose_lhs_hint = false} : vector<640x192xf32>, vector<192x64xf32>, vector<640x64xf32> -> vector<640x64xf32>
    %mul3A_141 = arith.constant 3 : i32
    %mul3A_142 = vector.broadcast %mul3A_141 : i32 to vector<192x64xi32>
    %mul3A_143 = arith.muli %mul3A_142, %iota3A_134 : vector<192x64xi32>
    %add3A_144 = arith.constant 1 : i32
    %add3A_145 = vector.broadcast %add3A_144 : i32 to vector<192x64xi32>
    %add3A_146 = arith.addi %mul3A_143, %add3A_145 : vector<192x64xi32>
    %eq3A_147 = arith.cmpi eq, %iota3A, %add3A_146 : vector<192x64xi32>
    %convert_element_type3A_148 = arith.extui %eq3A_147 : vector<192x64xi1> to vector<192x64xi32>
    %convert_element_type3A_149 = arith.sitofp %convert_element_type3A_148 : vector<192x64xi32> to vector<192x64xf32>
    %dot_general3A_150 = arith.constant dense<0.000000e+00> : vector<640x64xf32>
    %dot_general3A_151 = tpu.matmul %mul3A_133, %convert_element_type3A_149, %dot_general3A_150 {dimension_numbers = #tpu.dot_dimension_numbers<[1], [0], [0], [1], [0, 0, 1, 1], [], []>, transpose_lhs_hint = false} : vector<640x192xf32>, vector<192x64xf32>, vector<640x64xf32> -> vector<640x64xf32>
    %mul3A_152 = arith.constant 3 : i32
    %mul3A_153 = vector.broadcast %mul3A_152 : i32 to vector<192x64xi32>
    %mul3A_154 = arith.muli %mul3A_153, %iota3A_134 : vector<192x64xi32>
    %add3A_155 = arith.constant 2 : i32
    %add3A_156 = vector.broadcast %add3A_155 : i32 to vector<192x64xi32>
    %add3A_157 = arith.addi %mul3A_154, %add3A_156 : vector<192x64xi32>
    %eq3A_158 = arith.cmpi eq, %iota3A, %add3A_157 : vector<192x64xi32>
    %convert_element_type3A_159 = arith.extui %eq3A_158 : vector<192x64xi1> to vector<192x64xi32>
    %convert_element_type3A_160 = arith.sitofp %convert_element_type3A_159 : vector<192x64xi32> to vector<192x64xf32>
    %dot_general3A_161 = arith.constant dense<0.000000e+00> : vector<640x64xf32>
    %dot_general3A_162 = tpu.matmul %mul3A_133, %convert_element_type3A_160, %dot_general3A_161 {dimension_numbers = #tpu.dot_dimension_numbers<[1], [0], [0], [1], [0, 0, 1, 1], [], []>, transpose_lhs_hint = false} : vector<640x192xf32>, vector<192x64xf32>, vector<640x64xf32> -> vector<640x64xf32>
    %get3A_163 = arith.constant 0 : index
    %get3A_164 = arith.constant 0 : index
    %get3A_165 = vector.load %arg8[%get3A_163, %get3A_164] : memref<64x64xf32, #tpu.memory_space<vmem>>, vector<64x64xf32>
    %get3A_166 = arith.constant 0 : index
    %get3A_167 = arith.constant 0 : index
    %get3A_168 = vector.load %arg9[%get3A_166, %get3A_167] : memref<64x64xf32, #tpu.memory_space<vmem>>, vector<64x64xf32>
    %get3A_169 = arith.constant 0 : index
    %get3A_170 = arith.constant 0 : index
    %get3A_171 = vector.load %arg10[%get3A_169, %get3A_170] : memref<64x64xf32, #tpu.memory_space<vmem>>, vector<64x64xf32>
    %dot_general3A_172 = arith.constant dense<0.000000e+00> : vector<640x64xf32>
    %dot_general3A_173 = tpu.matmul %get3A_3, %get3A_165, %dot_general3A_172 {dimension_numbers = #tpu.dot_dimension_numbers<[1], [0], [0], [1], [0, 0, 1, 1], [], []>, transpose_lhs_hint = false} : vector<640x64xf32>, vector<64x64xf32>, vector<640x64xf32> -> vector<640x64xf32>
    %mul3A_174 = arith.mulf %dot_general3A_173, %dot_general3A_140 : vector<640x64xf32>
    %dot_general3A_175 = arith.constant dense<0.000000e+00> : vector<640x64xf32>
    %dot_general3A_176 = tpu.matmul %get3A_8, %get3A_168, %dot_general3A_175 {dimension_numbers = #tpu.dot_dimension_numbers<[1], [0], [0], [1], [0, 0, 1, 1], [], []>, transpose_lhs_hint = false} : vector<640x64xf32>, vector<64x64xf32>, vector<640x64xf32> -> vector<640x64xf32>
    %mul3A_177 = arith.mulf %dot_general3A_176, %dot_general3A_151 : vector<640x64xf32>
    %dot_general3A_178 = arith.constant dense<0.000000e+00> : vector<640x64xf32>
    %dot_general3A_179 = tpu.matmul %get3A_13, %get3A_168, %dot_general3A_178 {dimension_numbers = #tpu.dot_dimension_numbers<[1], [0], [0], [1], [0, 0, 1, 1], [], []>, transpose_lhs_hint = false} : vector<640x64xf32>, vector<64x64xf32>, vector<640x64xf32> -> vector<640x64xf32>
    %mul3A_180 = arith.mulf %dot_general3A_179, %dot_general3A_151 : vector<640x64xf32>
    %dot_general3A_181 = arith.constant dense<0.000000e+00> : vector<640x64xf32>
    %dot_general3A_182 = tpu.matmul %get3A_18, %get3A_168, %dot_general3A_181 {dimension_numbers = #tpu.dot_dimension_numbers<[1], [0], [0], [1], [0, 0, 1, 1], [], []>, transpose_lhs_hint = false} : vector<640x64xf32>, vector<64x64xf32>, vector<640x64xf32> -> vector<640x64xf32>
    %mul3A_183 = arith.mulf %dot_general3A_182, %dot_general3A_151 : vector<640x64xf32>
    %dot_general3A_184 = arith.constant dense<0.000000e+00> : vector<640x64xf32>
    %dot_general3A_185 = tpu.matmul %get3A_23, %get3A_171, %dot_general3A_184 {dimension_numbers = #tpu.dot_dimension_numbers<[1], [0], [0], [1], [0, 0, 1, 1], [], []>, transpose_lhs_hint = false} : vector<640x64xf32>, vector<64x64xf32>, vector<640x64xf32> -> vector<640x64xf32>
    %mul3A_186 = arith.mulf %dot_general3A_185, %dot_general3A_162 : vector<640x64xf32>
    %dot_general3A_187 = arith.constant dense<0.000000e+00> : vector<640x64xf32>
    %dot_general3A_188 = tpu.matmul %get3A_28, %get3A_171, %dot_general3A_187 {dimension_numbers = #tpu.dot_dimension_numbers<[1], [0], [0], [1], [0, 0, 1, 1], [], []>, transpose_lhs_hint = false} : vector<640x64xf32>, vector<64x64xf32>, vector<640x64xf32> -> vector<640x64xf32>
    %mul3A_189 = arith.mulf %dot_general3A_188, %dot_general3A_162 : vector<640x64xf32>
    %dot_general3A_190 = arith.constant dense<0.000000e+00> : vector<640x64xf32>
    %dot_general3A_191 = tpu.matmul %get3A_33, %get3A_171, %dot_general3A_190 {dimension_numbers = #tpu.dot_dimension_numbers<[1], [0], [0], [1], [0, 0, 1, 1], [], []>, transpose_lhs_hint = false} : vector<640x64xf32>, vector<64x64xf32>, vector<640x64xf32> -> vector<640x64xf32>
    %mul3A_192 = arith.mulf %dot_general3A_191, %dot_general3A_162 : vector<640x64xf32>
    %dot_general3A_193 = arith.constant dense<0.000000e+00> : vector<640x64xf32>
    %dot_general3A_194 = tpu.matmul %get3A_38, %get3A_171, %dot_general3A_193 {dimension_numbers = #tpu.dot_dimension_numbers<[1], [0], [0], [1], [0, 0, 1, 1], [], []>, transpose_lhs_hint = false} : vector<640x64xf32>, vector<64x64xf32>, vector<640x64xf32> -> vector<640x64xf32>
    %mul3A_195 = arith.mulf %dot_general3A_194, %dot_general3A_162 : vector<640x64xf32>
    %dot_general3A_196 = arith.constant dense<0.000000e+00> : vector<640x64xf32>
    %dot_general3A_197 = tpu.matmul %get3A_43, %get3A_171, %dot_general3A_196 {dimension_numbers = #tpu.dot_dimension_numbers<[1], [0], [0], [1], [0, 0, 1, 1], [], []>, transpose_lhs_hint = false} : vector<640x64xf32>, vector<64x64xf32>, vector<640x64xf32> -> vector<640x64xf32>
    %mul3A_198 = arith.mulf %dot_general3A_197, %dot_general3A_162 : vector<640x64xf32>
    %dot_general3A_199 = arith.constant dense<0.000000e+00> : vector<640x64xf32>
    %dot_general3A_200 = tpu.matmul %get3A_48, %get3A_171, %dot_general3A_199 {dimension_numbers = #tpu.dot_dimension_numbers<[1], [0], [0], [1], [0, 0, 1, 1], [], []>, transpose_lhs_hint = false} : vector<640x64xf32>, vector<64x64xf32>, vector<640x64xf32> -> vector<640x64xf32>
    %mul3A_201 = arith.mulf %dot_general3A_200, %dot_general3A_162 : vector<640x64xf32>
    %add3A_202 = arith.addf %mul3A_174, %mul3A_186 : vector<640x64xf32>
    %swap3A = arith.constant 0 : index
    %swap3A_203 = arith.constant 0 : index
    %swap3A_204 = arith.constant 0 : index
    %swap3A_205 = vector.load %arg11[%swap3A, %swap3A_203, %swap3A_204] : memref<9x640x64xf32, #tpu.memory_space<vmem>>, vector<1x640x64xf32>
    %swap3A_206 = vector.shape_cast %swap3A_205 : vector<1x640x64xf32> to vector<640x64xf32>
    %swap3A_207 = vector.shape_cast %add3A_202 : vector<640x64xf32> to vector<1x640x64xf32>
    tpu.vector_store %arg11[%swap3A, %swap3A_203, %swap3A_204], %swap3A_207 {strides = array<i32>} : memref<9x640x64xf32, #tpu.memory_space<vmem>>, vector<1x640x64xf32>,
    %neg3A = arith.constant 0.000000e+00 : f32
    %neg3A_208 = vector.broadcast %neg3A : f32 to vector<640x64xf32>
    %neg3A_209 = arith.subf %neg3A_208, %mul3A_183 : vector<640x64xf32>
    %add3A_210 = arith.addf %neg3A_209, %mul3A_195 : vector<640x64xf32>
    %swap3A_211 = arith.constant 1 : index
    %swap3A_212 = arith.constant 0 : index
    %swap3A_213 = arith.constant 0 : index
    %swap3A_214 = vector.load %arg11[%swap3A_211, %swap3A_212, %swap3A_213] : memref<9x640x64xf32, #tpu.memory_space<vmem>>, vector<1x640x64xf32>
    %swap3A_215 = vector.shape_cast %swap3A_214 : vector<1x640x64xf32> to vector<640x64xf32>
    %swap3A_216 = vector.shape_cast %add3A_210 : vector<640x64xf32> to vector<1x640x64xf32>
    tpu.vector_store %arg11[%swap3A_211, %swap3A_212, %swap3A_213], %swap3A_216 {strides = array<i32>} : memref<9x640x64xf32, #tpu.memory_space<vmem>>, vector<1x640x64xf32>,
    %add3A_217 = arith.addf %mul3A_180, %mul3A_198 : vector<640x64xf32>
    %swap3A_218 = arith.constant 2 : index
    %swap3A_219 = arith.constant 0 : index
    %swap3A_220 = arith.constant 0 : index
    %swap3A_221 = vector.load %arg11[%swap3A_218, %swap3A_219, %swap3A_220] : memref<9x640x64xf32, #tpu.memory_space<vmem>>, vector<1x640x64xf32>
    %swap3A_222 = vector.shape_cast %swap3A_221 : vector<1x640x64xf32> to vector<640x64xf32>
    %swap3A_223 = vector.shape_cast %add3A_217 : vector<640x64xf32> to vector<1x640x64xf32>
    tpu.vector_store %arg11[%swap3A_218, %swap3A_219, %swap3A_220], %swap3A_223 {strides = array<i32>} : memref<9x640x64xf32, #tpu.memory_space<vmem>>, vector<1x640x64xf32>,
    %add3A_224 = arith.addf %mul3A_183, %mul3A_195 : vector<640x64xf32>
    %swap3A_225 = arith.constant 3 : index
    %swap3A_226 = arith.constant 0 : index
    %swap3A_227 = arith.constant 0 : index
    %swap3A_228 = vector.load %arg11[%swap3A_225, %swap3A_226, %swap3A_227] : memref<9x640x64xf32, #tpu.memory_space<vmem>>, vector<1x640x64xf32>
    %swap3A_229 = vector.shape_cast %swap3A_228 : vector<1x640x64xf32> to vector<640x64xf32>
    %swap3A_230 = vector.shape_cast %add3A_224 : vector<640x64xf32> to vector<1x640x64xf32>
    tpu.vector_store %arg11[%swap3A_225, %swap3A_226, %swap3A_227], %swap3A_230 {strides = array<i32>} : memref<9x640x64xf32, #tpu.memory_space<vmem>>, vector<1x640x64xf32>,
    %add3A_231 = arith.addf %mul3A_174, %mul3A_189 : vector<640x64xf32>
    %swap3A_232 = arith.constant 4 : index
    %swap3A_233 = arith.constant 0 : index
    %swap3A_234 = arith.constant 0 : index
    %swap3A_235 = vector.load %arg11[%swap3A_232, %swap3A_233, %swap3A_234] : memref<9x640x64xf32, #tpu.memory_space<vmem>>, vector<1x640x64xf32>
    %swap3A_236 = vector.shape_cast %swap3A_235 : vector<1x640x64xf32> to vector<640x64xf32>
    %swap3A_237 = vector.shape_cast %add3A_231 : vector<640x64xf32> to vector<1x640x64xf32>
    tpu.vector_store %arg11[%swap3A_232, %swap3A_233, %swap3A_234], %swap3A_237 {strides = array<i32>} : memref<9x640x64xf32, #tpu.memory_space<vmem>>, vector<1x640x64xf32>,
    %neg3A_238 = arith.constant 0.000000e+00 : f32
    %neg3A_239 = vector.broadcast %neg3A_238 : f32 to vector<640x64xf32>
    %neg3A_240 = arith.subf %neg3A_239, %mul3A_177 : vector<640x64xf32>
    %add3A_241 = arith.addf %neg3A_240, %mul3A_201 : vector<640x64xf32>
    %swap3A_242 = arith.constant 5 : index
    %swap3A_243 = arith.constant 0 : index
    %swap3A_244 = arith.constant 0 : index
    %swap3A_245 = vector.load %arg11[%swap3A_242, %swap3A_243, %swap3A_244] : memref<9x640x64xf32, #tpu.memory_space<vmem>>, vector<1x640x64xf32>
    %swap3A_246 = vector.shape_cast %swap3A_245 : vector<1x640x64xf32> to vector<640x64xf32>
    %swap3A_247 = vector.shape_cast %add3A_241 : vector<640x64xf32> to vector<1x640x64xf32>
    tpu.vector_store %arg11[%swap3A_242, %swap3A_243, %swap3A_244], %swap3A_247 {strides = array<i32>} : memref<9x640x64xf32, #tpu.memory_space<vmem>>, vector<1x640x64xf32>,
    %neg3A_248 = arith.constant 0.000000e+00 : f32
    %neg3A_249 = vector.broadcast %neg3A_248 : f32 to vector<640x64xf32>
    %neg3A_250 = arith.subf %neg3A_249, %mul3A_180 : vector<640x64xf32>
    %add3A_251 = arith.addf %neg3A_250, %mul3A_198 : vector<640x64xf32>
    %swap3A_252 = arith.constant 6 : index
    %swap3A_253 = arith.constant 0 : index
    %swap3A_254 = arith.constant 0 : index
    %swap3A_255 = vector.load %arg11[%swap3A_252, %swap3A_253, %swap3A_254] : memref<9x640x64xf32, #tpu.memory_space<vmem>>, vector<1x640x64xf32>
    %swap3A_256 = vector.shape_cast %swap3A_255 : vector<1x640x64xf32> to vector<640x64xf32>
    %swap3A_257 = vector.shape_cast %add3A_251 : vector<640x64xf32> to vector<1x640x64xf32>
    tpu.vector_store %arg11[%swap3A_252, %swap3A_253, %swap3A_254], %swap3A_257 {strides = array<i32>} : memref<9x640x64xf32, #tpu.memory_space<vmem>>, vector<1x640x64xf32>,
    %add3A_258 = arith.addf %mul3A_177, %mul3A_201 : vector<640x64xf32>
    %swap3A_259 = arith.constant 7 : index
    %swap3A_260 = arith.constant 0 : index
    %swap3A_261 = arith.constant 0 : index
    %swap3A_262 = vector.load %arg11[%swap3A_259, %swap3A_260, %swap3A_261] : memref<9x640x64xf32, #tpu.memory_space<vmem>>, vector<1x640x64xf32>
    %swap3A_263 = vector.shape_cast %swap3A_262 : vector<1x640x64xf32> to vector<640x64xf32>
    %swap3A_264 = vector.shape_cast %add3A_258 : vector<640x64xf32> to vector<1x640x64xf32>
    tpu.vector_store %arg11[%swap3A_259, %swap3A_260, %swap3A_261], %swap3A_264 {strides = array<i32>} : memref<9x640x64xf32, #tpu.memory_space<vmem>>, vector<1x640x64xf32>,
    %add3A_265 = arith.addf %mul3A_174, %mul3A_192 : vector<640x64xf32>
    %swap3A_266 = arith.constant 8 : index
    %swap3A_267 = arith.constant 0 : index
    %swap3A_268 = arith.constant 0 : index
    %swap3A_269 = vector.load %arg11[%swap3A_266, %swap3A_267, %swap3A_268] : memref<9x640x64xf32, #tpu.memory_space<vmem>>, vector<1x640x64xf32>
    %swap3A_270 = vector.shape_cast %swap3A_269 : vector<1x640x64xf32> to vector<640x64xf32>
    %swap3A_271 = vector.shape_cast %add3A_265 : vector<640x64xf32> to vector<1x640x64xf32>
    tpu.vector_store %arg11[%swap3A_266, %swap3A_267, %swap3A_268], %swap3A_271 {strides = array<i32>} : memref<9x640x64xf32, #tpu.memory_space<vmem>>, vector<1x640x64xf32>,
    return
  }
  func.func @transform_0(%arg0: i32) -> (i32, i32, i32) {
    %c0_i32 = arith.constant 0 : i32
    %c0_i32_0 = arith.constant 0 : i32
    %c0_i32_1 = arith.constant 0 : i32
    return %c0_i32, %arg0, %c0_i32_0 : i32, i32, i32
  }
  func.func @transform_1(%arg0: i32) -> i32 {
    %c0_i32 = arith.constant 0 : i32
    %c0_i32_0 = arith.constant 0 : i32
    return %c0_i32 : i32
  }
  func.func @transform_2(%arg0: i32) -> i32 {
    %c0_i32 = arith.constant 0 : i32
    %c0_i32_0 = arith.constant 0 : i32
    return %c0_i32 : i32
  }
  func.func @transform_3(%arg0: i32) -> (i32, i32) {
    %c0_i32 = arith.constant 0 : i32
    %c0_i32_0 = arith.constant 0 : i32
    %c0_i32_1 = arith.constant 0 : i32
    return %c0_i32, %c0_i32_0 : i32, i32
  }
  func.func @transform_4(%arg0: i32) -> i32 {
    %c0_i32 = arith.constant 0 : i32
    %c0_i32_0 = arith.constant 0 : i32
    return %c0_i32 : i32
  }
  func.func @transform_5(%arg0: i32) -> (i32, i32) {
    %c0_i32 = arith.constant 0 : i32
    %c0_i32_0 = arith.constant 0 : i32
    %c0_i32_1 = arith.constant 0 : i32
    return %c0_i32, %c0_i32_0 : i32, i32
  }
  func.func @transform_6(%arg0: i32) -> i32 {
    %c0_i32 = arith.constant 0 : i32
    %c0_i32_0 = arith.constant 0 : i32
    return %c0_i32 : i32
  }
  func.func @transform_7(%arg0: i32) -> (i32, i32) {
    %c0_i32 = arith.constant 0 : i32
    %c0_i32_0 = arith.constant 0 : i32
    %c0_i32_1 = arith.constant 0 : i32
    return %c0_i32, %c0_i32_0 : i32, i32
  }
  func.func @transform_8(%arg0: i32) -> (i32, i32) {
    %c0_i32 = arith.constant 0 : i32
    %c0_i32_0 = arith.constant 0 : i32
    %c0_i32_1 = arith.constant 0 : i32
    return %c0_i32, %c0_i32_0 : i32, i32
  }
  func.func @transform_9(%arg0: i32) -> (i32, i32) {
    %c0_i32 = arith.constant 0 : i32
    %c0_i32_0 = arith.constant 0 : i32
    %c0_i32_1 = arith.constant 0 : i32
    return %c0_i32, %c0_i32_0 : i32, i32
  }
  func.func @transform_10(%arg0: i32) -> (i32, i32, i32) {
    %c0_i32 = arith.constant 0 : i32
    %c0_i32_0 = arith.constant 0 : i32
    %c0_i32_1 = arith.constant 0 : i32
    return %c0_i32, %arg0, %c0_i32_0 : i32, i32, i32
  }
}

</mosaic_0001>

<sc_bundles>
// kernel: kernel.5.cloned.1.call-start
scs
__scs_entry_jumppad:
0x0: {  	(pc) =	sbr.rel $0x88, $3  }
0x1: {  	(tag) =	ssettag $0x0;
	lr =	simm.s32 $0x1  }
0x2: {  	[smem:$0x3F8A] =	sst lr;
	_ =	strace $0xD0000000  }
0x3: {  	_ = 	snop  }
0x4: {  	_ = 	snop  }
0x5: {  	_ = 	snop  }
0x6: {  	_ = 	snop  }
0x7: {  	_ = 	snop  }
__scs_overlays_trampoline_lowered:
0x8: {  	[smem:$0x3F99] =	sst s0  }
0x9: {  	[smem:$0x3F9A] =	sst s1  }
0xa: {  	[smem:$0x3F9B] =	sst s2  }
0xb: {  	[smem:$0x3F9C] =	sst s3  }
0xc: {  	[smem:$0x3F9D] =	sst s4  }
0xd: {  	[smem:$0x3F9E] =	sst s5  }
0xe: {  	[smem:$0x3F9F] =	sst s6  }
0xf: {  	[smem:$0x3FA0] =	sst s7  }
0x10: {  	[smem:$0x3FA1] =	sst s8  }
0x11: {  	[smem:$0x3FA2] =	sst s9;
	s0 =	simm.s32 @!p0 $0x0  }
0x12: {  	s1 =	sld [smem:$0x3F88];
	s0 =	simm.s32 @p0 $0x1  }
0x13: {  	[smem:$0x3FA3] =	sst s0;
	s0 =	simm.s32 @!p1 $0x0  }
0x14: {  	s2 =	sld [smem:$0x3F87];
	s0 =	simm.s32 @p1 $0x1  }
0x15: {  	[smem:$0x3FA4] =	sst s0;
	s0 =	simm.s32 @!p2 $0x0  }
0x16: {  	s3 =	sld [smem:$0x3FDB];
	s0 =	simm.s32 @p2 $0x1  }
0x17: {  	s4 =	simm.s32 $0x1BF5;
	[smem:$0x3FA6] =	sst s0  }
0x18: {  	s0 =	sld [smem:$0x3F89];
	_ =	swait.ge [sflag:s4], $0x0  }
0x19: {  	s7 =	sld [smem:$0x3F8A]  }
0x1a: {  	s8 =	sadd.s32 $0xFFFFE003, lr  }
0x1b: {  	s9 =	sadd.s32 $0xFFFFFEF7, lr;
	s5 =	simm.s32 $0xFFFFFFFF;
	p2 =	slt.u32 s8, $0xFFFFF086  }
0x1c: {  	p1 =	slt.u32 s9, $0xF7A;
	s5 =	simm.s32 @!p2 $0x0  }
0x1d: {  	s5 =	simm.s32 @p1 $0x1;
	p0 =	seq.s32 s7, s2  }
0x1e: {  	s7 =	smul.u32 @!p0 $0xF7A, s2;
	p2 =	seq.s32 @!p0 s5, $0x0  }
0x1f: {  	s9 =	smul.u32 $0xF7A, s1;
	s8 =	simm.s32 @!p0 $0x1BF5;
	p2 =	por !p2, p0  }
0x20: {  	[sflag:s8] =	ssyncset.s32 @!p0 $0xFFFFF086;
	s6 =	sadd.s32 @!p0 s3, s7;
	s7 =	simm.s32 @!p0 $0x108  }
0x21: {  	s3 =	sadd.s32 s3, s9;
	s6 =	sadd.s32 @!p0 $0x88, s6;
	s7 =	simm.s32 @p2 $0x1082  }
0x22: {  	[simem:s7], [sflag:s8] =	dma.local @!p0 [hbm:s6], $0xF7A  }
0x23: {  	s9 =	sor.u32 $0xD0000000, s2;
	s6 =	simm.s32 $0x108;
	_ =	swait.ge @!p0 [sflag:s8], $0x0  }
0x24: {  	s3 =	sadd.s32 $0x88, s3;
	s6 =	simm.s32 @!p1 $0x1082;
	[sflag:s4] =	ssyncset.s32 $0xFFFFF086  }
0x25: {  	[simem:s6], [sflag:s4] =	dma.local [hbm:s3], $0xF7A  }
0x26: {  	[smem:$0x3F8A] =	sst s1;
	(tag) =	ssettag s2;
	_ =	strace s9  }
0x27: {  	s1 =	sld [smem:$0x3F9A]  }
0x28: {  	s2 =	sld [smem:$0x3F9B]  }
0x29: {  	s4 =	sld [smem:$0x3F9D]  }
0x2a: {  	p0 =	seq.s32 s5, $0x0;
	s5 =	sld [smem:$0x3F9E]  }
0x2b: {  	s6 =	sld [smem:$0x3F9F]  }
0x2c: {  	s7 =	sld [smem:$0x3FA0]  }
0x2d: {  	s3 =	simm.s32 $0x108;
	s8 =	sld [smem:$0x3FA1]  }
0x2e: {  	s3 =	simm.s32 @!p0 $0x1082;
	s9 =	sld [smem:$0x3FA2]  }
0x2f: {  	lr =	sadd.s32 s0, s3;
	s0 =	sld [smem:$0x3F99]  }
0x30: {  	s3 =	sld [smem:$0x3F9C]  }
0x31: {  	[smem:$0x3FA5] =	sst s10  }
0x32: {  	s10 =	sld [smem:$0x3FA3];
	_ =	sdelay $0x3  }
0x33: {  	p0 =	seq.s32 s10, $0x1;
	s10 =	sld [smem:$0x3FA5];
	_ =	sdelay $0x3  }
0x34: {  	[smem:$0x3FA5] =	sst s10  }
0x35: {  	s10 =	sld [smem:$0x3FA4];
	_ =	sdelay $0x3  }
0x36: {  	p1 =	seq.s32 s10, $0x1;
	s10 =	sld [smem:$0x3FA5];
	_ =	sdelay $0x3  }
0x37: {  	[smem:$0x3FA5] =	sst s10  }
0x38: {  	s10 =	sld [smem:$0x3FA6]  }
0x39: {  	_ = 	snop;
	(pc) =	sbr.ind lr, $3  }
0x3a: {  	_ = 	snop  }
0x3b: {  	_ = 	snop  }
0x3c: {  	p2 =	seq.s32 s10, $0x1;
	s10 =	sld [smem:$0x3FA5]  }
0x3d: {  	_ =	shalt  }
0x3e: {  	_ =	shalt  }
0x3f: {  	_ =	shalt  }
0x40: {  	_ =	shalt  }
0x41: {  	_ =	shalt  }
0x42: {  	_ =	shalt  }
0x43: {  	_ =	shalt  }
0x44: {  	_ =	shalt  }
0x45: {  	_ =	shalt  }
0x46: {  	_ =	shalt  }
0x47: {  	_ =	shalt  }
0x48: {  	_ =	shalt  }
0x49: {  	_ =	shalt  }
0x4a: {  	_ =	shalt  }
0x4b: {  	_ =	shalt  }
0x4c: {  	_ =	shalt  }
0x4d: {  	_ =	shalt  }
0x4e: {  	_ =	shalt  }
0x4f: {  	_ =	shalt  }
0x50: {  	_ =	shalt  }
0x51: {  	_ =	shalt  }
0x52: {  	_ =	shalt  }
0x53: {  	_ =	shalt  }
0x54: {  	_ =	shalt  }
0x55: {  	_ =	shalt  }
0x56: {  	_ =	shalt  }
0x57: {  	_ =	shalt  }
0x58: {  	_ =	shalt  }
0x59: {  	_ =	shalt  }
0x5a: {  	_ =	shalt  }
0x5b: {  	_ =	shalt  }
0x5c: {  	_ =	shalt  }
0x5d: {  	_ =	shalt  }
0x5e: {  	_ =	shalt  }
0x5f: {  	_ =	shalt  }
0x60: {  	_ =	shalt  }
0x61: {  	_ =	shalt  }
0x62: {  	_ =	shalt  }
0x63: {  	_ =	shalt  }
0x64: {  	_ =	shalt  }
0x65: {  	_ =	shalt  }
0x66: {  	_ =	shalt  }
0x67: {  	_ =	shalt  }
0x68: {  	_ =	shalt  }
0x69: {  	_ =	shalt  }
0x6a: {  	_ =	shalt  }
0x6b: {  	_ =	shalt  }
0x6c: {  	_ =	shalt  }
0x6d: {  	_ =	shalt  }
0x6e: {  	_ =	shalt  }
0x6f: {  	_ =	shalt  }
0x70: {  	_ =	shalt  }
0x71: {  	_ =	shalt  }
0x72: {  	_ =	shalt  }
0x73: {  	_ =	shalt  }
0x74: {  	_ =	shalt  }
0x75: {  	_ =	shalt  }
0x76: {  	_ =	shalt  }
0x77: {  	_ =	shalt  }
0x78: {  	_ =	shalt  }
0x79: {  	_ =	shalt  }
0x7a: {  	_ =	shalt  }
0x7b: {  	_ =	shalt  }
0x7c: {  	_ =	shalt  }
0x7d: {  	_ =	shalt  }
0x7e: {  	_ =	shalt  }
0x7f: {  	_ =	shalt  }
0x80: {  	_ =	shalt  }
0x81: {  	_ =	shalt  }
0x82: {  	_ =	shalt  }
0x83: {  	_ =	shalt  }
0x84: {  	_ =	shalt  }
0x85: {  	_ =	shalt  }
0x86: {  	_ =	shalt  }
0x87: {  	_ =	shalt  }
.Lfunc_end0:
.L_simem_size_0:
called_computation.1_lowered:
.L_overlay_start_0:
0x88: {  	s2 =	sld [smem:$0x3FD9]  }
0x89: {  	s3 =	sld [smem:$0x3FFE];
	_ =	sdelay $0x1  }
0x8a: {  	s1 =	srdreg.scid  }
0x8b: {  	s0 =	sand.u32 $0x1, s1  }
0x8c: {  	s17 =	sshll.u32 s0, $0xA;
	s2 =	sadd.s32 s3, s2  }
0x8d: {  	s2 =	sadd.s32 s2, s17  }
0x8e: {  	[smem:$0x3FB1] =	sst s2  }
0x8f: {  	_ = 	snop  }
0x90: {  	s2 =	sld [smem:$0x3FD0];
	(tm) =	ssettm $0x1  }
0x91: {  	s18 =	sld [smem:$0x3FFB];
	_ =	sdelay $0x3  }
0x92: {  	_ =	strace s18  }
0x93: {  	s3 =	sld [smem:$0x3FFC];
	_ =	sdelay $0x3  }
0x94: {  	_ =	strace s3  }
0x95: {  	s3 =	sld [smem:$0x3FFD];
	_ =	sdelay $0x3  }
0x96: {  	_ =	strace s3  }
0x97: {  	_ =	strace $0x8FFFFFFF  }
0x98: {  	s19 =	sld [smem:$0x3FDB];
	_ =	sdelay $0x1  }
0x99: {  	s4 =	simm.s32 $_scs_section_size  }
0x9a: {  	s5 =	simm.s32 $_size__tile_overlayer_lowered;
	s6 =	simm.s32 $_tile_overlayer_lowered  }
0x9b: {  	s22 =	simm.s32 $0x1BFF;
	s21 =	sshll.u32 s6, $0x1;
	s3 =	sadd.s32 s4, s19  }
0x9c: {  	s7 =	simm.s32 $0x0;
	s20 =	sshll.u32 s5, $0x1;
	s5 =	sadd.s32 s21, s3  }
0x9d: {  	[timem:s7], [sflag:s22] =	dma.local [hbm:s5], s20  }
0x9e: {  	_ =	swait.ge [sflag:s22], s20  }
0x9f: {  	s4 =	ssub.s32 $0x0, s20;
	[sflag:s22] =	ssyncset.done $0x0  }
0xa0: {  	[sflag:s22] =	ssyncadd.s32 s4;
	_ =	sdelay $0x1  }
0xa1: {  	s23 =	simm.s32 $0x1B8B  }
0xa2: {  	_ =	swait.ge [sflag:s23], $0x1  }
0xa3: {  	[sflag:s23] =	ssyncset.done $0x0  }
0xa4: {  	s25 =	simm.s32 $0x1B8E;
	s24 =	sld [smem:$0x3FFE];
	[sflag:s23] =	ssyncadd.s32 $0xFFFFFFFF  }
0xa5: {  	s26 =	simm.s32 $execute0_lowered;
	[smem:$0x3FD2] =	sst s25  }
0xa6: {  	s5 =	sshll.u32 s26, $0x1;
	_ =	strace $0x80000046;
	[dreg:$0x1] =	wrdreg $0xFFFFFFFF  }
0xa7: {  	s28 =	simm.s32 $_size_execute0_lowered;
	s3 =	sadd.s32 s3, s5;
	[dreg:$0x0] =	wrdreg $0x0  }
0xa8: {  	s5 =	sshll.u32 s28, $0x1;
	[dreg:$0x2] =	wrdreg s3  }
0xa9: {  	[dreg:$0x3] =	wrdreg s5  }
0xaa: {  	[dreg:$0x4] =	wrdreg $0xC0  }
0xab: {  	_ =	task [dreg:s7], $0x5FFFF  }
0xac: {  	[dreg:$0x1] =	wrdreg $0xFFFFFFFF  }
0xad: {  	[dreg:$0x0] =	wrdreg $0x60  }
0xae: {  	[dreg:$0x2] =	wrdreg s24  }
0xaf: {  	[dreg:$0x3] =	wrdreg s2  }
0xb0: {  	[dreg:$0x4] =	wrdreg $0x9  }
0xb1: {  	_ =	task.clear_ibuf [dreg:s7], $0x5FFFF;
	_ =	strace $0x90000046  }
0xb2: {  	s29 =	simm.s32 $0x9;
	_ =	strace $0x80000048  }
0xb3: {  	_ =	swait.ge [sflag:s29], $0x1  }
0xb4: {  	[sflag:s29] =	ssyncadd.s32 $0xFFFFFFFF  }
0xb5: {  	_ =	strace $0x90000048  }
0xb6: {  	_ =	sfence  }
0xb7: {  	s30 =	sld [smem:$0x0];
	_ =	sdelay $0x2  }
0xb8: {  	s31 =	sshll.u32 s1, $0xD;
	s1 =	sshrl.u32 s1, $0x2  }
0xb9: {  	s3 =	sand.u32 $0x4000, s31;
	s1 =	sadd.s32 s1, s30  }
0xba: {  	s0 =	sor.u32 s3, s0;
	s1 =	sshll.u32 s1, $0x11  }
0xbb: {  	s0 =	sor.u32 s1, s0  }
0xbc: {  	s0 =	sadd.s32 $0x8F2B, s0  }
0xbd: {  	[sflag:s0] =	ssyncadd.remote.s32 $0x1  }
0xbe: {  	_ =	sfence.sel $0xFFFF  }
0xbf: {  	[dreg:$0x0] =	wrdreg $0xFFFFFFFF;
	(pc) =	sbr.abs _section_cstart, $3  }
0xc0: {  	[dreg:$0x1] =	wrdreg $0xFFFFFFFF  }
0xc1: {  	_ =	task.clear_ibuf [dreg:s7], $0x2FFFF;
	_ =	strace $0x9FFFFFFF  }
0xc2: {  	(tm) =	ssettm $0x7FFFFFFF  }
0xc3: {  	_ =	shalt  }
tec
execute0_lowered:
.L_overlay_start_1:
0x0: {  	(tag) =	ssettag $0x1  }
0x1: {  	s4 =	rddreg [dreg:$0x0]  }
0x2: {  	s6 =	rddreg [dreg:$0x1]  }
0x3: {  	s0 =	rddreg [dreg:$0x2]  }
0x4: {  	s3 =	srdreg.scid;
	s1 =	stileid.u32  }
0x5: {  	s2 =	simm.s32 $0x0;
	s11 =	simm.s32 $0x100;
	s12 =	simm.s32 $0x2800  }
0x6: {  	s13 =	simm.s32 $0x3C00;
	s3 =	sand.u32 $0x1, s3;
	s5 =	sshll.u32 s1, $0x1  }
0x7: {  	s14 =	simm.s32 $0x0;
	s7 =	ssub.s32 $0x2, s3;
	s3 =	sor.u32 s3, s5  }
0x8: {  	[smem:$0x7FF] =	sst s2;
	s9 =	sadd.s32 $0x4000, s4;
	s8 =	smul.u32 $0x500, s3  }
0x9: {  	_ =	strace $0x80000047;
	s30 =	sshrl.u32 s7, $0x1;
	s3 =	sadd.s32 $0x3A00, s4  }
0xa: {  	s10 =	ssub.s32 s7, s30;
	s4 =	sadd.s32 s6, s8;
	s5 =	sadd.s32 s9, s8  }
0xb: {  	s31 =	sor.u32 $0x10, s8;
	s8 =	smax.u32 s10, $0x1;
	s10 =	simm.s32 $0x80  }
0xc: {  	s6 =	sadd.s32 s6, s31;
	s7 =	sadd.s32 s9, s31;
	s9 =	simm.s32 $0x1  }
.LBB2_1:
0xd: {  	[tilespmem:s2], [sflag:$0x1] =	stream.linear.gather [hbm4b:s3+s2], $0x2800, $0x38;
	[tilespmem:$0x5000] =	vst v63  }
0xe: {  	_ =	swait.ge [sflag:s9], $0x2800  }
0xf: {  	[sflag:s9] =	ssyncset.done $0x0  }
0x10: {  	[sflag:s9] =	ssyncadd.s32 $0xFFFFD800  }
0x11: {  	[tilespmem:s12], [sflag:$0x1] =	stream.strided.gather [hbm4b:s4+s10], $0x1400, s11, s10, $0x38;
	[tilespmem:$0x5000] =	vst v63  }
0x12: {  	_ =	swait.ge [sflag:s9], $0x1400  }
0x13: {  	[sflag:s9] =	ssyncset.done $0x0  }
0x14: {  	s15 =	simm.s32 $0x0;
	[sflag:s9] =	ssyncadd.s32 $0xFFFFEC00  }
0x15: {  	v0 =	vld [tilespmem:s15+$0x2800];
	_ =	sdelay $0x7  }
0x16: {  	s16 =	simm.s32 $0x10;
	s17 =	simm.s32 $0x80;
	v0 =	vld.idx.msk [tilespmem:v0+s2+$0x0], $0xffff  }
.LBB2_2:
0x17: {  	p0 =	sne.s32 s17, $0x4FC0;
	v1 =	vld [tilespmem:s16+$0x2800];
	_ =	sdelay $0x3  }
.Ltmp0:
0x18: {  	(pc) =	sbr.rel @p0 .LBB2_2-.Ltmp0, $2  }
0x19: {  	[tilespmem:s15+$0x3C00] =	vst v0;
	s15 =	smov.u32 s16;
	_ =	sdelay $0x2  }
0x1a: {  	s16 =	sshra.s32 s17, $0x2;
	s17 =	sadd.s32 $0x40, s17;
	v0 =	vld.idx.msk [tilespmem:v1+s2+$0x0], $0xffff  }
0x1b: {  	v1 =	vld [tilespmem:s16+$0x2800];
	_ =	sdelay $0x6  }
0x1c: {  	[tilespmem:s15+$0x3C00] =	vst v0  }
0x1d: {  	v0 =	vld.idx.msk [tilespmem:v1+s2+$0x0], $0xffff;
	_ =	sdelay $0x4  }
0x1e: {  	[tilespmem:s16+$0x3C00] =	vst v0  }
0x1f: {  	[hbm4b:s5+s10] =	stream.strided.scatter [tilespmem:s13], [sflag:$0x1], $0x1400, s11, s10, $0x38;
	[tilespmem:$0x5000] =	vst v63  }
0x20: {  	_ =	swait.ge [sflag:s9], $0x1400  }
0x21: {  	[sflag:s9] =	ssyncset.done $0x0  }
0x22: {  	[sflag:s9] =	ssyncadd.s32 $0xFFFFEC00  }
0x23: {  	[tilespmem:s12], [sflag:$0x1] =	stream.strided.gather [hbm4b:s6+s10], $0x1400, s11, s10, $0x38;
	[tilespmem:$0x5000] =	vst v63  }
0x24: {  	_ =	swait.ge [sflag:s9], $0x1400  }
0x25: {  	[sflag:s9] =	ssyncset.done $0x0  }
0x26: {  	s15 =	simm.s32 $0x0;
	[sflag:s9] =	ssyncadd.s32 $0xFFFFEC00  }
0x27: {  	v0 =	vld [tilespmem:s15+$0x2800];
	_ =	sdelay $0x7  }
0x28: {  	s17 =	simm.s32 $0x80;
	s16 =	simm.s32 $0x10;
	v0 =	vld.idx.msk [tilespmem:v0+s2+$0x0], $0xffff  }
.LBB2_4:
0x29: {  	p0 =	sne.s32 s17, $0x4FC0;
	v1 =	vld [tilespmem:s16+$0x2800];
	_ =	sdelay $0x3  }
.Ltmp1:
0x2a: {  	(pc) =	sbr.rel @p0 .LBB2_4-.Ltmp1, $2  }
0x2b: {  	[tilespmem:s15+$0x3C00] =	vst v0;
	s15 =	smov.u32 s16;
	_ =	sdelay $0x2  }
0x2c: {  	s16 =	sshra.s32 s17, $0x2;
	s17 =	sadd.s32 $0x40, s17;
	v0 =	vld.idx.msk [tilespmem:v1+s2+$0x0], $0xffff  }
0x2d: {  	v1 =	vld [tilespmem:s16+$0x2800];
	_ =	sdelay $0x6  }
0x2e: {  	[tilespmem:s15+$0x3C00] =	vst v0  }
0x2f: {  	v0 =	vld.idx.msk [tilespmem:v1+s2+$0x0], $0xffff;
	_ =	sdelay $0x2  }
0x30: {  	s14 =	sadd.s32 $0x1, s14  }
0x31: {  	p0 =	sne.s32 s14, s8  }
.Ltmp2:
0x32: {  	[tilespmem:s16+$0x3C00] =	vst v0;
	(pc) =	sbr.rel @p0 .LBB2_1-.Ltmp2, $4  }
0x33: {  	[hbm4b:s7+s10] =	stream.strided.scatter [tilespmem:s13], [sflag:$0x1], $0x1400, s11, s10, $0x38;
	[tilespmem:$0x5000] =	vst v63  }
0x34: {  	_ =	swait.ge [sflag:s9], $0x1400  }
0x35: {  	[sflag:s9] =	ssyncset.done $0x0  }
0x36: {  	[sflag:s9] =	ssyncadd.s32 $0xFFFFEC00  }
0x37: {  	_ =	sfence.sel $0x180000  }
0x38: {  	[bflag:$0x0] =	sbarrier.arrive $0xFFFF  }
0x39: {  	p0 =	sne.s32 s1, $0x0;
	_ =	strace $0x90000047  }
0x3a: {  	s0 =	sadd.s32 @!p0 $0x100000, s0;
	[bflag:$0x2] =	sbarrier.arrive $0xFFFF  }
0x3b: {  	[sflag:s0] =	ssyncadd.tile.s32 @!p0 $0x1;
	_ =	shalt  }
.Lfunc_end2:
_tile_overlayer_lowered:
.L_overlay_start_2:
0x3c: {  	(tag) =	ssettag $0x2  }
0x3d: {  	s0 =	rddreg [dreg:$0x0];
	s2 =	stileid.u32  }
0x3e: {  	s1 =	rddreg [dreg:$0x1];
	p0 =	sne.s32 s2, $0x0  }
0x3f: {  	s3 =	rddreg [dreg:$0x2];
	[bflag:$0x3] =	sbarrier.arrive $0xFFFF;
	s2 =	simm.s32 @!p0 $0x1C01  }
0x40: {  	[timem:s3], [sflag:s2] =	dma.local @!p0 [hbm:s0], s1  }
0x41: {  	s0 =	simm.s32 @!p0 $0x1  }
0x42: {  	_ =	swait.ge @!p0 [sflag:s0], s1  }
0x43: {  	s1 =	ssub.s32 @!p0 $0x0, s1;
	[sflag:s0] =	ssyncset.done @!p0 $0x0  }
0x44: {  	[sflag:s0] =	ssyncadd.s32 @!p0 s1  }
0x45: {  	[bflag:$0x3] =	sbarrier.arrive $0xFFFF  }
0x46: {  	_ =	shalt  }

// kernel: sparse-core-data-format-call.cloned.1.call-start
scs
called_computation_lowered:
.L_overlay_start_0:
0x0: {  	s1 =	sld [smem:$0x3FD9]  }
0x1: {  	s2 =	sld [smem:$0x3FFE];
	_ =	sdelay $0x1  }
0x2: {  	s3 =	srdreg.scid  }
0x3: {  	s0 =	sand.u32 $0x1, s3  }
0x4: {  	s17 =	sshll.u32 s0, $0xA;
	s1 =	sadd.s32 s2, s1  }
0x5: {  	s1 =	sadd.s32 s1, s17  }
0x6: {  	[smem:$0x3FB1] =	sst s1  }
0x7: {  	_ = 	snop  }
0x8: {  	(tm) =	ssettm $0x1  }
0x9: {  	s18 =	sld [smem:$0x3FFB];
	_ =	sdelay $0x3  }
0xa: {  	_ =	strace s18  }
0xb: {  	s1 =	sld [smem:$0x3FFC];
	_ =	sdelay $0x3  }
0xc: {  	_ =	strace s1  }
0xd: {  	s1 =	sld [smem:$0x3FFD];
	_ =	sdelay $0x3  }
0xe: {  	_ =	strace s1  }
0xf: {  	_ =	strace $0x8FFFFFFF  }
0x10: {  	s19 =	sld [smem:$0x3FDB];
	_ =	sdelay $0x1  }
0x11: {  	s20 =	simm.s32 $_scs_section_size  }
0x12: {  	s4 =	simm.s32 $_size__tile_overlayer_lowered;
	s5 =	simm.s32 $_tile_overlayer_lowered  }
0x13: {  	s23 =	simm.s32 $0x1BFF;
	s22 =	sshll.u32 s5, $0x1;
	s1 =	sadd.s32 s20, s19  }
0x14: {  	s6 =	simm.s32 $0x0;
	s21 =	sshll.u32 s4, $0x1;
	s4 =	sadd.s32 s22, s1  }
0x15: {  	[timem:s6], [sflag:s23] =	dma.local [hbm:s4], s21  }
0x16: {  	_ =	swait.ge [sflag:s23], s21  }
0x17: {  	s2 =	ssub.s32 $0x0, s21;
	[sflag:s23] =	ssyncset.done $0x0  }
0x18: {  	[sflag:s23] =	ssyncadd.s32 s2;
	_ =	sdelay $0x1  }
0x19: {  	s24 =	simm.s32 $0x1B8B  }
0x1a: {  	_ =	swait.ge [sflag:s24], $0x1  }
0x1b: {  	[sflag:s24] =	ssyncset.done $0x0  }
0x1c: {  	s26 =	simm.s32 $0x1B8E;
	s25 =	sld [smem:$0x3FFE];
	[sflag:s24] =	ssyncadd.s32 $0xFFFFFFFF  }
0x1d: {  	s27 =	simm.s32 $execute0_lowered;
	[smem:$0x3FD2] =	sst s26  }
0x1e: {  	s4 =	sshll.u32 s27, $0x1;
	_ =	strace $0x80000049;
	[dreg:$0x1] =	wrdreg $0xFFFFFFFF  }
0x1f: {  	s28 =	simm.s32 $_size_execute0_lowered;
	s1 =	sadd.s32 s1, s4;
	[dreg:$0x0] =	wrdreg $0x0  }
0x20: {  	s4 =	sshll.u32 s28, $0x1;
	[dreg:$0x2] =	wrdreg s1  }
0x21: {  	[dreg:$0x3] =	wrdreg s4  }
0x22: {  	[dreg:$0x4] =	wrdreg $0xC0  }
0x23: {  	_ =	task [dreg:s6], $0x5FFFF  }
0x24: {  	[dreg:$0x1] =	wrdreg $0xFFFFFFFF  }
0x25: {  	[dreg:$0x0] =	wrdreg $0x60  }
0x26: {  	[dreg:$0x2] =	wrdreg s25  }
0x27: {  	[dreg:$0x3] =	wrdreg $0x9  }
0x28: {  	_ =	task.clear_ibuf [dreg:s6], $0x4FFFF;
	_ =	strace $0x90000049  }
0x29: {  	s29 =	simm.s32 $0x9;
	_ =	strace $0x8000004B  }
0x2a: {  	_ =	swait.ge [sflag:s29], $0x1  }
0x2b: {  	[sflag:s29] =	ssyncadd.s32 $0xFFFFFFFF  }
0x2c: {  	_ =	strace $0x9000004B  }
0x2d: {  	_ =	sfence  }
0x2e: {  	s30 =	sld [smem:$0x0];
	_ =	sdelay $0x2  }
0x2f: {  	s31 =	sshll.u32 s3, $0xD;
	s3 =	sshrl.u32 s3, $0x2  }
0x30: {  	s2 =	sand.u32 $0x4000, s31;
	s1 =	sadd.s32 s3, s30  }
0x31: {  	s0 =	sor.u32 s2, s0;
	s1 =	sshll.u32 s1, $0x11  }
0x32: {  	s0 =	sor.u32 s1, s0  }
0x33: {  	s0 =	sadd.s32 $0x8F2B, s0  }
0x34: {  	[sflag:s0] =	ssyncadd.remote.s32 $0x1  }
0x35: {  	_ =	sfence.sel $0xFFFF  }
0x36: {  	[dreg:$0x0] =	wrdreg $0xFFFFFFFF;
	(pc) =	sbr.abs _section_cstart, $3  }
0x37: {  	[dreg:$0x1] =	wrdreg $0xFFFFFFFF  }
0x38: {  	_ =	task.clear_ibuf [dreg:s6], $0x2FFFF;
	_ =	strace $0x9FFFFFFF  }
0x39: {  	(tm) =	ssettm $0x7FFFFFFF  }
tec
execute0_lowered:
.L_overlay_start_1:
0x0: {  	(tag) =	ssettag $0x1  }
0x1: {  	s0 =	srdreg.scid  }
0x2: {  	s1 =	sshll.u32 s0, $0x4  }
0x3: {  	s0 =	stileid.u32;
	s1 =	sand.u32 $0x10, s1  }
0x4: {  	s6 =	rddreg [dreg:$0x0];
	s1 =	sor.u32 s0, s1  }
0x5: {  	s4 =	simm.s32 $0x1;
	s7 =	simm.s32 $0x2;
	s2 =	sshll.u32 s1, $0x8  }
0x6: {  	s14 =	simm.s32 $0x0;
	s8 =	simm.s32 $0x40;
	s3 =	ssub.s32 $0x28000, s2  }
0x7: {  	s9 =	simm.s32 $0x800;
	s10 =	simm.s32 $0x0;
	s31 =	sand.u32 $0x1F00, s3  }
0x8: {  	s15 =	simm.s32 $0x0;
	s12 =	simm.s32 $0x0;
	p0 =	sne.s32 s31, $0x0  }
.Ltmp0:
0x9: {  	s3 =	sshrl.u32 s3, $0xD;
	s4 =	simm.s32 @!p0 $0x0;
	(pc) =	sbr.rel .LBB1_1-.Ltmp0, $4  }
0xa: {  	s13 =	simm.s32 $0x0;
	s1 =	rddreg [dreg:$0x1];
	s5 =	sadd.s32 s4, s3  }
0xb: {  	_ =	strace $0x8000004A;
	s4 =	simm.s32 $0x1;
	s5 =	smul.u32 $0xA, s5  }
0xc: {  	s11 =	smov.u32 s2;
	s3 =	sadd.s32 $0x4FF000, s6;
	[sflag:s4] =	ssyncpa.u1 $0x0  }
0xd: {  	s6 =	sadd.s32 $0x1DFF000, s6;
	[sflag:s7] =	ssyncpa.u1 $0x0;
	s7 =	sor.u32 $0x1, s5  }
.LBB1_4:
0xe: {  	_ =	sdelay $0x3  }
0xf: {  	[tilespmem:v1+s16+$0x10 ss:$0x1] =	vst.idx.msk $0xffff, v2;
	s15 =	sshll.u32 s15, $0x4  }
0x10: {  	[tilespmem:v1+s16+$0xFFFFFFE0 ss:$0x1] =	vst.idx.msk $0xffff, v3;
	s15 =	sand.u32 $0xF0, s15  }
0x11: {  	[tilespmem:v1+s16+$0xFFFFFFF0 ss:$0x1] =	vst.idx.msk $0xffff, v4;
	s14 =	sshll.u32 s14, $0x8;
	s15 =	sadd.s32 s6, s15  }
0x12: {  	[tilespmem:v1+s16+$0x0 ss:$0x1] =	vst.idx.msk $0xffff, v5;
	s14 =	sadd.s32 s14, s15  }
0x13: {  	[hbm4b:s14+s8] =	stream.strided.scatter [tilespmem:s17], [sflag:$0x2], $0x4000, s9, s8, $0x38;
	[tilespmem:$0x10000] =	vst v63  }
.LBB1_5:
0x14: {  	s16 =	sadd.s32 $0x2000, s11  }
0x15: {  	s14 =	simm.s32 $0x1;
	p1 =	sgt.s32 s16, $0x27FFF  }
0x16: {  	s14 =	simm.s32 @!p1 $0x0  }
0x17: {  	s18 =	sadd.s32 s14, s12  }
0x18: {  	s16 =	smov.u32 @p1 s2;
	p1 =	sgt.s32 s18, $0x9  }
0x19: {  	s18 =	simm.s32 @p1 $0x0;
	p1 =	sne.s32 s13, s7  }
.Ltmp1:
0x1a: {  	p0 =	slt.u32 s13, $0x2;
	(pc) =	sbr.rel @!p1 .LBB1_6-.Ltmp1, $4  }
0x1b: {  	s17 =	simm.s32 @!p0 $0x2  }
0x1c: {  	s15 =	smov.u32 s12;
	s10 =	sadd.s32 $0x4000, s10;
	_ =	swait.ge @!p0 [sflag:s17], $0x4000  }
0x1d: {  	[sflag:s17] =	ssyncset.done @!p0 $0x0;
	s14 =	smov.u32 s11;
	s11 =	smov.u32 s16  }
0x1e: {  	[sflag:s17] =	ssyncadd.s32 @!p0 $0xFFFFC000;
	s13 =	sadd.s32 $0x1, s13;
	s12 =	smov.u32 s18  }
.LBB1_1:
0x1f: {  	p0 =	sge.u32 s13, s5  }
0x20: {  	s16 =	sand.u32 @!p0 $0x1FFFFFF, s11  }
0x21: {  	s17 =	smulhi.u32 @!p0 $0xCCCCCD, s16;
	_ =	sdelay $0x1  }
0x22: {  	s17 =	sshrl.u32 @!p0 s17, $0x9  }
0x23: {  	s17 =	smul.u32 @!p0 $0x28000, s17  }
0x24: {  	s18 =	sxor.u32 @!p0 $0xFFFFFFFF, s13;
	s19 =	smul.u32 @!p0 $0x280000, s12  }
0x25: {  	s31 =	sadd.s32 $0xFFFFFFFF, s13;
	s18 =	sshll.u32 @!p0 s18, $0xE;
	s16 =	ssub.s32 @!p0 s16, s17  }
0x26: {  	s17 =	sand.u32 @!p0 $0x4000, s18;
	s18 =	sadd.s32 @!p0 s3, s19;
	s16 =	sshll.u32 @!p0 s16, $0x4  }
0x27: {  	s19 =	simm.s32 @!p0 $0x80;
	s16 =	sadd.s32 @!p0 s16, s18;
	s18 =	simm.s32 @!p0 $0x40  }
0x28: {  	[tilespmem:s17], [sflag:$0x1] =	stream.strided.gather @!p0 [hbm4b:s16+s18], $0x4000, s19, s18, $0x38;
	[tilespmem:$0x10000] =	vst v63  }
0x29: {  	p0 =	sge.u32 s31, s5  }
.Ltmp2:
0x2a: {  	_ = 	snop;
	(pc) =	sbr.rel @p0 .LBB1_5-.Ltmp2, $1  }
0x2b: {  	_ =	sdelay $0x3  }
0x2c: {  	s17 =	sand.u32 $0x4000, s10  }
0x2d: {  	v0 =	vmov s17;
	_ =	sdelay $0x1  }
0x2e: {  	_ =	swait.ge [sflag:s4], $0x4000  }
0x2f: {  	[sflag:s4] =	ssyncset.done $0x0  }
0x30: {  	s16 =	simm.s32 $0x0;
	[sflag:s4] =	ssyncadd.s32 $0xFFFFC000  }
0x31: {  	s19 =	sor.u32 $0x8020, s17;
	v2 =	vld.idx.msk [tilespmem:v0+s16+$0x30 ss:$0x1], $0xffff  }
0x32: {  	s18 =	sshll.u32 s13, $0xE;
	v1 =	vmov s19;
	v3 =	vld.idx.msk [tilespmem:v0+s16+$0x0 ss:$0x1], $0xffff  }
0x33: {  	s31 =	sand.u32 $0x4000, s18;
	v4 =	vld.idx.msk [tilespmem:v0+s16+$0x10 ss:$0x1], $0xffff  }
0x34: {  	s18 =	simm.s32 $0x100;
	s17 =	sor.u32 $0x8000, s31;
	v5 =	vld.idx.msk [tilespmem:v0+s16+$0x20 ss:$0x1], $0xffff  }
.LBB1_3:
0x35: {  	p0 =	sne.s32 s18, $0xFF00  }
.Ltmp3:
0x36: {  	s19 =	sshra.s32 s18, $0x2;
	s18 =	sadd.s32 $0x100, s18;
	(pc) =	sbr.rel @p0 .LBB1_3-.Ltmp3, $4  }
0x37: {  	[tilespmem:v1+s16+$0x10 ss:$0x1] =	vst.idx.msk $0xffff, v2;
	v2 =	vld.idx.msk [tilespmem:v0+s19+$0x30 ss:$0x1], $0xffff  }
0x38: {  	[tilespmem:v1+s16+$0xFFFFFFE0 ss:$0x1] =	vst.idx.msk $0xffff, v3;
	v3 =	vld.idx.msk [tilespmem:v0+s19+$0x0 ss:$0x1], $0xffff  }
0x39: {  	[tilespmem:v1+s16+$0xFFFFFFF0 ss:$0x1] =	vst.idx.msk $0xffff, v4;
	v4 =	vld.idx.msk [tilespmem:v0+s19+$0x10 ss:$0x1], $0xffff  }
0x3a: {  	[tilespmem:v1+s16+$0x0 ss:$0x1] =	vst.idx.msk $0xffff, v5;
	v5 =	vld.idx.msk [tilespmem:v0+s19+$0x20 ss:$0x1], $0xffff;
	s16 =	smov.u32 s19  }
.Ltmp4:
0x3b: {  	_ = 	snop;
	(pc) =	sbr.rel .LBB1_4-.Ltmp4, $1  }
0x3c: {  	_ =	sdelay $0x3  }
.LBB1_6:
0x3d: {  	_ =	sfence.sel $0x180000  }
0x3e: {  	s2 =	simm.s32 $0x1;
	[bflag:$0x0] =	sbarrier.arrive $0xFFFF  }
0x3f: {  	s31 =	simm.s32 $0x2;
	[sflag:s2] =	ssyncpa.u1 $0x1  }
0x40: {  	[sflag:s31] =	ssyncpa.u1 $0x1  }
0x41: {  	p0 =	sne.s32 s0, $0x0;
	_ =	strace $0x9000004A  }
0x42: {  	s0 =	sadd.s32 @!p0 $0x100000, s1;
	[bflag:$0x2] =	sbarrier.arrive $0xFFFF  }
0x43: {  	[sflag:s0] =	ssyncadd.tile.s32 @!p0 $0x1;
	_ =	shalt  }
.Lfunc_end1:
_tile_overlayer_lowered:
.L_overlay_start_2:
0x44: {  	(tag) =	ssettag $0x2  }
0x45: {  	s0 =	rddreg [dreg:$0x0];
	s2 =	stileid.u32  }
0x46: {  	s1 =	rddreg [dreg:$0x1];
	p0 =	sne.s32 s2, $0x0  }
0x47: {  	s3 =	rddreg [dreg:$0x2];
	[bflag:$0x3] =	sbarrier.arrive $0xFFFF;
	s2 =	simm.s32 @!p0 $0x1C01  }
0x48: {  	[timem:s3], [sflag:s2] =	dma.local @!p0 [hbm:s0], s1  }
0x49: {  	s0 =	simm.s32 @!p0 $0x1  }
0x4a: {  	_ =	swait.ge @!p0 [sflag:s0], s1  }
0x4b: {  	s1 =	ssub.s32 @!p0 $0x0, s1;
	[sflag:s0] =	ssyncset.done @!p0 $0x0  }
0x4c: {  	[sflag:s0] =	ssyncadd.s32 @!p0 s1  }
0x4d: {  	[bflag:$0x3] =	sbarrier.arrive $0xFFFF  }
0x4e: {  	_ =	shalt  }

</sc_bundles>
